<compile_context>
chip_gen: v7x
topology: tpu7x:2x2x1
jax: 0.10.2.dev20260603
libtpu: 0.0.44.dev20260713+nightly
codegen_flags: <defaults>
</compile_context>

<pallas_src>
import jax
import jax.numpy as jnp
from jax import lax
from jax.experimental import pallas as pl
from jax.experimental.pallas import tpu as pltpu
from jax.experimental.pallas import tpu_sc as plsc

_NC, _NS = 2, 16
_NW = _NC * _NS
_LANES = 16
_R = 16
_D = 1024


def _sc_body(x_hbm, e_hbm, o_hbm, bx0, bx1, bx2, be0, be1,
             sx0, sx1, sx2, se0, se1, so0, so1, so2):
    bx, be = [bx0, bx1, bx2], [be0, be1]
    sx, se, so = [sx0, sx1, sx2], [se0, se1], [so0, so1, so2]

    wid = lax.axis_index("s") * _NC + lax.axis_index("c")
    s_total, _ = e_hbm.shape
    rows_w = s_total // _NW
    nsteps = rows_w // _R
    nb = x_hbm.shape[0] // s_total
    npass = nsteps * nb
    s_base = wid * rows_w

    def x_row(p):
        t, b = p // nb, p % nb
        return b * s_total + s_base + t * _R

    hx = [None, None, None]
    he = [None, None]
    ho = [None, None, None]

    he[0] = pltpu.async_copy(e_hbm.at[pl.ds(s_base, _R)], be[0], se[0])
    for p in range(min(2, npass)):
        hx[p % 3] = pltpu.async_copy(
            x_hbm.at[pl.ds(x_row(p), _R)], bx[p % 3], sx[p % 3])

    for p in range(npass):
        xs, es = p % 3, (p // nb) % 2
        hx[xs].wait()
        if p % nb == 0:
            he[es].wait()
        bxc, bec = bx[xs], be[es]

        @plsc.parallel_loop(0, _R * (_D // _LANES), unroll=8)
        def _chunk(i, bxc=bxc, bec=bec):
            r = i >> 6
            s = pl.ds((i & 63) * _LANES, _LANES)
            plsc.addupdate(bxc.at[r, s], bec[r, s])

        ho[xs] = pltpu.async_copy(
            bxc, o_hbm.at[pl.ds(x_row(p), _R)], so[xs])

        np_ = p + 2
        if np_ < npass:
            nxs = np_ % 3
            if ho[nxs] is not None:
                ho[nxs].wait()
            hx[nxs] = pltpu.async_copy(
                x_hbm.at[pl.ds(x_row(np_), _R)], bx[nxs], sx[nxs])
            if np_ % nb == 0:
                nes = (np_ // nb) % 2
                he[nes] = pltpu.async_copy(
                    e_hbm.at[pl.ds(s_base + (np_ // nb) * _R, _R)],
                    be[nes], se[nes])

    for k in range(min(3, npass)):
        ho[(npass - 1 - k) % 3].wait()


def kernel(x, emb):
    B, S, D = x.shape
    x2 = x.reshape(B * S, D)
    e2 = emb[:S]

    mesh = plsc.VectorSubcoreMesh(
        core_axis_name="c", subcore_axis_name="s",
        num_cores=_NC, num_subcores=_NS)
    run = pl.kernel(
        _sc_body,
        out_type=jax.ShapeDtypeStruct((B * S, D), x.dtype),
        mesh=mesh,
        scratch_types=(
            [pltpu.VMEM((_R, _D), jnp.float32)] * 3
            + [pltpu.VMEM((_R, _D), jnp.float32)] * 2
            + [pltpu.SemaphoreType.DMA] * 8
        ),
        compiler_params=pltpu.CompilerParams(use_tc_tiling_on_sc=True),
    )
    return run(x2, e2).reshape(B, S, D)

# --- scband reference (transcript-rebuilt; emitter-appended) ---
"""Pipeline reference for scband-learned-positional-encoding-38551626449247 (READ-ONLY COPY).

The authoritative reference and input builder live on the scoring server;
editing this copy changes nothing except your own understanding.
"""

import jax, jax.numpy as jnp
import numpy as np

D_MODEL = 1024
MAX_LEN = 2048
BATCH = 4
SEQ = 2048

def setup_inputs(seed: int = 0) -> dict:
    key = jax.random.key(seed)
    k_x, k_emb = jax.random.split(key)
    x = jax.random.normal(k_x, (BATCH, SEQ, D_MODEL), dtype=jnp.float32)
    emb = jax.random.normal(k_emb, (MAX_LEN, D_MODEL), dtype=jnp.float32) * 0.02
    return {"x": x, "emb": emb}

def reference(x, emb):
    # positions = arange(seq_len); gather rows from learned table; add to x.
    positions = jnp.arange(x.shape[1])
    pos_emb = jnp.take(emb, positions, axis=0)  # [S, D]
    # dropout p=0.0 -> identity
    return x + pos_emb[None, :, :]

if __name__ == "__main__":
    import jax
    _d = setup_inputs()
    print(jax.jit(kernel)(*tuple(_d.values())))

</pallas_src>

<mosaic_0001>
#map = affine_map<(d0, d1) -> (0, 0)>
module attributes {stable_mosaic.version = 14 : i64} {
  func.func @_sc_body(%arg0: i32, %arg1: i32, %arg2: memref<8192x1024xf32, #tpu.memory_space<hbm>>, %arg3: memref<2048x1024xf32, #tpu.memory_space<hbm>>, %arg4: memref<8192x1024xf32, #tpu.memory_space<hbm>>, %arg5: memref<16x1024xf32, #tpu.memory_space<vmem>>, %arg6: memref<16x1024xf32, #tpu.memory_space<vmem>>, %arg7: memref<16x1024xf32, #tpu.memory_space<vmem>>, %arg8: memref<16x1024xf32, #tpu.memory_space<vmem>>, %arg9: memref<16x1024xf32, #tpu.memory_space<vmem>>, %arg10: memref<!tpu.dma_semaphore, #tpu.memory_space<semaphore_mem>>, %arg11: memref<!tpu.dma_semaphore, #tpu.memory_space<semaphore_mem>>, %arg12: memref<!tpu.dma_semaphore, #tpu.memory_space<semaphore_mem>>, %arg13: memref<!tpu.dma_semaphore, #tpu.memory_space<semaphore_mem>>, %arg14: memref<!tpu.dma_semaphore, #tpu.memory_space<semaphore_mem>>, %arg15: memref<!tpu.dma_semaphore, #tpu.memory_space<semaphore_mem>>, %arg16: memref<!tpu.dma_semaphore, #tpu.memory_space<semaphore_mem>>, %arg17: memref<!tpu.dma_semaphore, #tpu.memory_space<semaphore_mem>>) attributes {dimension_semantics = [#tpu.dimension_semantics<core_parallel>, #tpu.dimension_semantics<subcore_parallel>], iteration_bounds = array<i64: 2, 16>, scalar_prefetch = 0 : i64, scratch_operands = 13 : i64, tpu.core_type = #tpu.core_type<sc_vector_subcore>, window_params = [{transform_indices = #map}, {transform_indices = #map}, {transform_indices = #map}]} {
    %mul3A = arith.constant 2 : i32
    %mul3A_0 = arith.muli %arg1, %mul3A : i32
    %add3A = arith.addi %mul3A_0, %arg0 : i32
    %mul3A_1 = arith.constant 64 : i32
    %mul3A_2 = arith.muli %add3A, %mul3A_1 : i32
    %dma_start3A = arith.constant 0 : i32
    %dma_start3A_3 = tpu.memref_slice %arg3[%mul3A_2, %dma_start3A] : memref<2048x1024xf32, #tpu.memory_space<hbm>> -> memref<16x1024xf32, #tpu.memory_space<hbm>>
    %dma_start3A_4 = arith.constant 0 : i32
    %dma_start3A_5 = tpu.memref_slice %arg3[%mul3A_2, %dma_start3A_4] : memref<2048x1024xf32, #tpu.memory_space<hbm>> -> memref<16x1024xf32, #tpu.memory_space<hbm>>
    tpu.enqueue_dma source(%dma_start3A_5 : memref<16x1024xf32, #tpu.memory_space<hbm>>) target(%arg8 : memref<16x1024xf32, #tpu.memory_space<vmem>>) target_semaphore(%arg13 : memref<!tpu.dma_semaphore, #tpu.memory_space<semaphore_mem>>)
    %add3A_6 = arith.constant 0 : i32
    %add3A_7 = arith.addi %add3A_6, %mul3A_2 : i32
    %add3A_8 = arith.constant 0 : i32
    %add3A_9 = arith.addi %add3A_7, %add3A_8 : i32
    %dma_start3A_10 = arith.constant 0 : i32
    %dma_start3A_11 = tpu.memref_slice %arg2[%add3A_9, %dma_start3A_10] : memref<8192x1024xf32, #tpu.memory_space<hbm>> -> memref<16x1024xf32, #tpu.memory_space<hbm>>
    %dma_start3A_12 = arith.constant 0 : i32
    %dma_start3A_13 = tpu.memref_slice %arg2[%add3A_9, %dma_start3A_12] : memref<8192x1024xf32, #tpu.memory_space<hbm>> -> memref<16x1024xf32, #tpu.memory_space<hbm>>
    tpu.enqueue_dma source(%dma_start3A_13 : memref<16x1024xf32, #tpu.memory_space<hbm>>) target(%arg5 : memref<16x1024xf32, #tpu.memory_space<vmem>>) target_semaphore(%arg10 : memref<!tpu.dma_semaphore, #tpu.memory_space<semaphore_mem>>)
    %add3A_14 = arith.constant 2048 : i32
    %add3A_15 = arith.addi %add3A_14, %mul3A_2 : i32
    %add3A_16 = arith.constant 0 : i32
    %add3A_17 = arith.addi %add3A_15, %add3A_16 : i32
    %dma_start3A_18 = arith.constant 0 : i32
    %dma_start3A_19 = tpu.memref_slice %arg2[%add3A_17, %dma_start3A_18] : memref<8192x1024xf32, #tpu.memory_space<hbm>> -> memref<16x1024xf32, #tpu.memory_space<hbm>>
    %dma_start3A_20 = arith.constant 0 : i32
    %dma_start3A_21 = tpu.memref_slice %arg2[%add3A_17, %dma_start3A_20] : memref<8192x1024xf32, #tpu.memory_space<hbm>> -> memref<16x1024xf32, #tpu.memory_space<hbm>>
    tpu.enqueue_dma source(%dma_start3A_21 : memref<16x1024xf32, #tpu.memory_space<hbm>>) target(%arg6 : memref<16x1024xf32, #tpu.memory_space<vmem>>) target_semaphore(%arg11 : memref<!tpu.dma_semaphore, #tpu.memory_space<semaphore_mem>>)
    %dma_wait3A = arith.constant 0 : i32
    %dma_wait3A_22 = tpu.memref_slice %arg2[%add3A_9, %dma_wait3A] : memref<8192x1024xf32, #tpu.memory_space<hbm>> -> memref<16x1024xf32, #tpu.memory_space<hbm>>
    %dma_wait3A_23 = arith.constant 0 : i32
    %dma_wait3A_24 = tpu.memref_slice %arg2[%add3A_9, %dma_wait3A_23] : memref<8192x1024xf32, #tpu.memory_space<hbm>> -> memref<16x1024xf32, #tpu.memory_space<hbm>>
    tpu.wait_dma2 semaphore(%arg10 : memref<!tpu.dma_semaphore, #tpu.memory_space<semaphore_mem>>) src(%dma_wait3A_24 : memref<16x1024xf32, #tpu.memory_space<hbm>>) dst(%arg5 : memref<16x1024xf32, #tpu.memory_space<vmem>>)
    %dma_wait3A_25 = arith.constant 0 : i32
    %dma_wait3A_26 = tpu.memref_slice %arg3[%mul3A_2, %dma_wait3A_25] : memref<2048x1024xf32, #tpu.memory_space<hbm>> -> memref<16x1024xf32, #tpu.memory_space<hbm>>
    %dma_wait3A_27 = arith.constant 0 : i32
    %dma_wait3A_28 = tpu.memref_slice %arg3[%mul3A_2, %dma_wait3A_27] : memref<2048x1024xf32, #tpu.memory_space<hbm>> -> memref<16x1024xf32, #tpu.memory_space<hbm>>
    tpu.wait_dma2 semaphore(%arg13 : memref<!tpu.dma_semaphore, #tpu.memory_space<semaphore_mem>>) src(%dma_wait3A_28 : memref<16x1024xf32, #tpu.memory_space<hbm>>) dst(%arg8 : memref<16x1024xf32, #tpu.memory_space<vmem>>)
    %parallel_loop3A = arith.constant 0 : i32
    %parallel_loop3A_29 = arith.constant 1024 : i32
    %parallel_loop3A_30 = arith.constant 1 : i32
    scf.for %parallel_loop3A_470 = %parallel_loop3A to %parallel_loop3A_29 step %parallel_loop3A_30  : i32 {
      %parallel_loop3A_471 = arith.constant 6 : i32
      %parallel_loop3A_472 = arith.shrsi %parallel_loop3A_470, %parallel_loop3A_471 : i32
      %parallel_loop3A_473 = arith.constant 63 : i32
      %parallel_loop3A_474 = arith.andi %parallel_loop3A_470, %parallel_loop3A_473 : i32
      %parallel_loop3A_475 = arith.constant 16 : i32
      %parallel_loop3A_476 = arith.muli %parallel_loop3A_474, %parallel_loop3A_475 : i32
      %parallel_loop3A_477 = arith.index_cast %parallel_loop3A_472 : i32 to index
      %parallel_loop3A_478 = arith.index_cast %parallel_loop3A_476 : i32 to index
      %parallel_loop3A_479 = tpu.vector_load %arg8[%parallel_loop3A_477, %parallel_loop3A_478] {strides = array<i32>} : memref<16x1024xf32, #tpu.memory_space<vmem>>, vector<1x16xf32>,
      %parallel_loop3A_480 = vector.shape_cast %parallel_loop3A_479 : vector<1x16xf32> to vector<16xf32>
      %parallel_loop3A_481 = arith.index_cast %parallel_loop3A_472 : i32 to index
      %parallel_loop3A_482 = arith.index_cast %parallel_loop3A_476 : i32 to index
      %parallel_loop3A_483 = tpu.vector_load %arg5[%parallel_loop3A_481, %parallel_loop3A_482] {strides = array<i32>} : memref<16x1024xf32, #tpu.memory_space<vmem>>, vector<1x16xf32>,
      %parallel_loop3A_484 = vector.shape_cast %parallel_loop3A_483 : vector<1x16xf32> to vector<16xf32>
      %parallel_loop3A_485 = vector.shape_cast %parallel_loop3A_480 : vector<16xf32> to vector<1x16xf32>
      tpu.vector_store %arg5[%parallel_loop3A_481, %parallel_loop3A_482], %parallel_loop3A_485 {add = true, strides = array<i32>} : memref<16x1024xf32, #tpu.memory_space<vmem>>, vector<1x16xf32>,
    } {sc.loop_unroll_factor = 8 : i64, sc.parallel_access}
    %add3A_31 = arith.constant 0 : i32
    %add3A_32 = arith.addi %add3A_31, %mul3A_2 : i32
    %add3A_33 = arith.constant 0 : i32
    %add3A_34 = arith.addi %add3A_32, %add3A_33 : i32
    %dma_start3A_35 = arith.constant 0 : i32
    %dma_start3A_36 = tpu.memref_slice %arg4[%add3A_34, %dma_start3A_35] : memref<8192x1024xf32, #tpu.memory_space<hbm>> -> memref<16x1024xf32, #tpu.memory_space<hbm>>
    %dma_start3A_37 = arith.constant 0 : i32
    %dma_start3A_38 = tpu.memref_slice %arg4[%add3A_34, %dma_start3A_37] : memref<8192x1024xf32, #tpu.memory_space<hbm>> -> memref<16x1024xf32, #tpu.memory_space<hbm>>
    tpu.enqueue_dma source(%arg5 : memref<16x1024xf32, #tpu.memory_space<vmem>>) target(%dma_start3A_38 : memref<16x1024xf32, #tpu.memory_space<hbm>>) target_semaphore(%arg15 : memref<!tpu.dma_semaphore, #tpu.memory_space<semaphore_mem>>)
    %add3A_39 = arith.constant 4096 : i32
    %add3A_40 = arith.addi %add3A_39, %mul3A_2 : i32
    %add3A_41 = arith.constant 0 : i32
    %add3A_42 = arith.addi %add3A_40, %add3A_41 : i32
    %dma_start3A_43 = arith.constant 0 : i32
    %dma_start3A_44 = tpu.memref_slice %arg2[%add3A_42, %dma_start3A_43] : memref<8192x1024xf32, #tpu.memory_space<hbm>> -> memref<16x1024xf32, #tpu.memory_space<hbm>>
    %dma_start3A_45 = arith.constant 0 : i32
    %dma_start3A_46 = tpu.memref_slice %arg2[%add3A_42, %dma_start3A_45] : memref<8192x1024xf32, #tpu.memory_space<hbm>> -> memref<16x1024xf32, #tpu.memory_space<hbm>>
    tpu.enqueue_dma source(%dma_start3A_46 : memref<16x1024xf32, #tpu.memory_space<hbm>>) target(%arg7 : memref<16x1024xf32, #tpu.memory_space<vmem>>) target_semaphore(%arg12 : memref<!tpu.dma_semaphore, #tpu.memory_space<semaphore_mem>>)
    %dma_wait3A_47 = arith.constant 0 : i32
    %dma_wait3A_48 = tpu.memref_slice %arg2[%add3A_17, %dma_wait3A_47] : memref<8192x1024xf32, #tpu.memory_space<hbm>> -> memref<16x1024xf32, #tpu.memory_space<hbm>>
    %dma_wait3A_49 = arith.constant 0 : i32
    %dma_wait3A_50 = tpu.memref_slice %arg2[%add3A_17, %dma_wait3A_49] : memref<8192x1024xf32, #tpu.memory_space<hbm>> -> memref<16x1024xf32, #tpu.memory_space<hbm>>
    tpu.wait_dma2 semaphore(%arg11 : memref<!tpu.dma_semaphore, #tpu.memory_space<semaphore_mem>>) src(%dma_wait3A_50 : memref<16x1024xf32, #tpu.memory_space<hbm>>) dst(%arg6 : memref<16x1024xf32, #tpu.memory_space<vmem>>)
    %parallel_loop3A_51 = arith.constant 0 : i32
    %parallel_loop3A_52 = arith.constant 1024 : i32
    %parallel_loop3A_53 = arith.constant 1 : i32
    scf.for %parallel_loop3A_470 = %parallel_loop3A_51 to %parallel_loop3A_52 step %parallel_loop3A_53  : i32 {
      %parallel_loop3A_471 = arith.constant 6 : i32
      %parallel_loop3A_472 = arith.shrsi %parallel_loop3A_470, %parallel_loop3A_471 : i32
      %parallel_loop3A_473 = arith.constant 63 : i32
      %parallel_loop3A_474 = arith.andi %parallel_loop3A_470, %parallel_loop3A_473 : i32
      %parallel_loop3A_475 = arith.constant 16 : i32
      %parallel_loop3A_476 = arith.muli %parallel_loop3A_474, %parallel_loop3A_475 : i32
      %parallel_loop3A_477 = arith.index_cast %parallel_loop3A_472 : i32 to index
      %parallel_loop3A_478 = arith.index_cast %parallel_loop3A_476 : i32 to index
      %parallel_loop3A_479 = tpu.vector_load %arg8[%parallel_loop3A_477, %parallel_loop3A_478] {strides = array<i32>} : memref<16x1024xf32, #tpu.memory_space<vmem>>, vector<1x16xf32>,
      %parallel_loop3A_480 = vector.shape_cast %parallel_loop3A_479 : vector<1x16xf32> to vector<16xf32>
      %parallel_loop3A_481 = arith.index_cast %parallel_loop3A_472 : i32 to index
      %parallel_loop3A_482 = arith.index_cast %parallel_loop3A_476 : i32 to index
      %parallel_loop3A_483 = tpu.vector_load %arg6[%parallel_loop3A_481, %parallel_loop3A_482] {strides = array<i32>} : memref<16x1024xf32, #tpu.memory_space<vmem>>, vector<1x16xf32>,
      %parallel_loop3A_484 = vector.shape_cast %parallel_loop3A_483 : vector<1x16xf32> to vector<16xf32>
      %parallel_loop3A_485 = vector.shape_cast %parallel_loop3A_480 : vector<16xf32> to vector<1x16xf32>
      tpu.vector_store %arg6[%parallel_loop3A_481, %parallel_loop3A_482], %parallel_loop3A_485 {add = true, strides = array<i32>} : memref<16x1024xf32, #tpu.memory_space<vmem>>, vector<1x16xf32>,
    } {sc.loop_unroll_factor = 8 : i64, sc.parallel_access}
    %add3A_54 = arith.constant 2048 : i32
    %add3A_55 = arith.addi %add3A_54, %mul3A_2 : i32
    %add3A_56 = arith.constant 0 : i32
    %add3A_57 = arith.addi %add3A_55, %add3A_56 : i32
    %dma_start3A_58 = arith.constant 0 : i32
    %dma_start3A_59 = tpu.memref_slice %arg4[%add3A_57, %dma_start3A_58] : memref<8192x1024xf32, #tpu.memory_space<hbm>> -> memref<16x1024xf32, #tpu.memory_space<hbm>>
    %dma_start3A_60 = arith.constant 0 : i32
    %dma_start3A_61 = tpu.memref_slice %arg4[%add3A_57, %dma_start3A_60] : memref<8192x1024xf32, #tpu.memory_space<hbm>> -> memref<16x1024xf32, #tpu.memory_space<hbm>>
    tpu.enqueue_dma source(%arg6 : memref<16x1024xf32, #tpu.memory_space<vmem>>) target(%dma_start3A_61 : memref<16x1024xf32, #tpu.memory_space<hbm>>) target_semaphore(%arg16 : memref<!tpu.dma_semaphore, #tpu.memory_space<semaphore_mem>>)
    %dma_wait3A_62 = arith.constant 0 : i32
    %dma_wait3A_63 = tpu.memref_slice %arg4[%add3A_34, %dma_wait3A_62] : memref<8192x1024xf32, #tpu.memory_space<hbm>> -> memref<16x1024xf32, #tpu.memory_space<hbm>>
    %dma_wait3A_64 = arith.constant 0 : i32
    %dma_wait3A_65 = tpu.memref_slice %arg4[%add3A_34, %dma_wait3A_64] : memref<8192x1024xf32, #tpu.memory_space<hbm>> -> memref<16x1024xf32, #tpu.memory_space<hbm>>
    tpu.wait_dma2 semaphore(%arg15 : memref<!tpu.dma_semaphore, #tpu.memory_space<semaphore_mem>>) src(%arg5 : memref<16x1024xf32, #tpu.memory_space<vmem>>) dst(%dma_wait3A_65 : memref<16x1024xf32, #tpu.memory_space<hbm>>)
    %add3A_66 = arith.constant 6144 : i32
    %add3A_67 = arith.addi %add3A_66, %mul3A_2 : i32
    %add3A_68 = arith.constant 0 : i32
    %add3A_69 = arith.addi %add3A_67, %add3A_68 : i32
    %dma_start3A_70 = arith.constant 0 : i32
    %dma_start3A_71 = tpu.memref_slice %arg2[%add3A_69, %dma_start3A_70] : memref<8192x1024xf32, #tpu.memory_space<hbm>> -> memref<16x1024xf32, #tpu.memory_space<hbm>>
    %dma_start3A_72 = arith.constant 0 : i32
    %dma_start3A_73 = tpu.memref_slice %arg2[%add3A_69, %dma_start3A_72] : memref<8192x1024xf32, #tpu.memory_space<hbm>> -> memref<16x1024xf32, #tpu.memory_space<hbm>>
    tpu.enqueue_dma source(%dma_start3A_73 : memref<16x1024xf32, #tpu.memory_space<hbm>>) target(%arg5 : memref<16x1024xf32, #tpu.memory_space<vmem>>) target_semaphore(%arg10 : memref<!tpu.dma_semaphore, #tpu.memory_space<semaphore_mem>>)
    %dma_wait3A_74 = arith.constant 0 : i32
    %dma_wait3A_75 = tpu.memref_slice %arg2[%add3A_42, %dma_wait3A_74] : memref<8192x1024xf32, #tpu.memory_space<hbm>> -> memref<16x1024xf32, #tpu.memory_space<hbm>>
    %dma_wait3A_76 = arith.constant 0 : i32
    %dma_wait3A_77 = tpu.memref_slice %arg2[%add3A_42, %dma_wait3A_76] : memref<8192x1024xf32, #tpu.memory_space<hbm>> -> memref<16x1024xf32, #tpu.memory_space<hbm>>
    tpu.wait_dma2 semaphore(%arg12 : memref<!tpu.dma_semaphore, #tpu.memory_space<semaphore_mem>>) src(%dma_wait3A_77 : memref<16x1024xf32, #tpu.memory_space<hbm>>) dst(%arg7 : memref<16x1024xf32, #tpu.memory_space<vmem>>)
    %parallel_loop3A_78 = arith.constant 0 : i32
    %parallel_loop3A_79 = arith.constant 1024 : i32
    %parallel_loop3A_80 = arith.constant 1 : i32
    scf.for %parallel_loop3A_470 = %parallel_loop3A_78 to %parallel_loop3A_79 step %parallel_loop3A_80  : i32 {
      %parallel_loop3A_471 = arith.constant 6 : i32
      %parallel_loop3A_472 = arith.shrsi %parallel_loop3A_470, %parallel_loop3A_471 : i32
      %parallel_loop3A_473 = arith.constant 63 : i32
      %parallel_loop3A_474 = arith.andi %parallel_loop3A_470, %parallel_loop3A_473 : i32
      %parallel_loop3A_475 = arith.constant 16 : i32
      %parallel_loop3A_476 = arith.muli %parallel_loop3A_474, %parallel_loop3A_475 : i32
      %parallel_loop3A_477 = arith.index_cast %parallel_loop3A_472 : i32 to index
      %parallel_loop3A_478 = arith.index_cast %parallel_loop3A_476 : i32 to index
      %parallel_loop3A_479 = tpu.vector_load %arg8[%parallel_loop3A_477, %parallel_loop3A_478] {strides = array<i32>} : memref<16x1024xf32, #tpu.memory_space<vmem>>, vector<1x16xf32>,
      %parallel_loop3A_480 = vector.shape_cast %parallel_loop3A_479 : vector<1x16xf32> to vector<16xf32>
      %parallel_loop3A_481 = arith.index_cast %parallel_loop3A_472 : i32 to index
      %parallel_loop3A_482 = arith.index_cast %parallel_loop3A_476 : i32 to index
      %parallel_loop3A_483 = tpu.vector_load %arg7[%parallel_loop3A_481, %parallel_loop3A_482] {strides = array<i32>} : memref<16x1024xf32, #tpu.memory_space<vmem>>, vector<1x16xf32>,
      %parallel_loop3A_484 = vector.shape_cast %parallel_loop3A_483 : vector<1x16xf32> to vector<16xf32>
      %parallel_loop3A_485 = vector.shape_cast %parallel_loop3A_480 : vector<16xf32> to vector<1x16xf32>
      tpu.vector_store %arg7[%parallel_loop3A_481, %parallel_loop3A_482], %parallel_loop3A_485 {add = true, strides = array<i32>} : memref<16x1024xf32, #tpu.memory_space<vmem>>, vector<1x16xf32>,
    } {sc.loop_unroll_factor = 8 : i64, sc.parallel_access}
    %add3A_81 = arith.constant 4096 : i32
    %add3A_82 = arith.addi %add3A_81, %mul3A_2 : i32
    %add3A_83 = arith.constant 0 : i32
    %add3A_84 = arith.addi %add3A_82, %add3A_83 : i32
    %dma_start3A_85 = arith.constant 0 : i32
    %dma_start3A_86 = tpu.memref_slice %arg4[%add3A_84, %dma_start3A_85] : memref<8192x1024xf32, #tpu.memory_space<hbm>> -> memref<16x1024xf32, #tpu.memory_space<hbm>>
    %dma_start3A_87 = arith.constant 0 : i32
    %dma_start3A_88 = tpu.memref_slice %arg4[%add3A_84, %dma_start3A_87] : memref<8192x1024xf32, #tpu.memory_space<hbm>> -> memref<16x1024xf32, #tpu.memory_space<hbm>>
    tpu.enqueue_dma source(%arg7 : memref<16x1024xf32, #tpu.memory_space<vmem>>) target(%dma_start3A_88 : memref<16x1024xf32, #tpu.memory_space<hbm>>) target_semaphore(%arg17 : memref<!tpu.dma_semaphore, #tpu.memory_space<semaphore_mem>>)
    %dma_wait3A_89 = arith.constant 0 : i32
    %dma_wait3A_90 = tpu.memref_slice %arg4[%add3A_57, %dma_wait3A_89] : memref<8192x1024xf32, #tpu.memory_space<hbm>> -> memref<16x1024xf32, #tpu.memory_space<hbm>>
    %dma_wait3A_91 = arith.constant 0 : i32
    %dma_wait3A_92 = tpu.memref_slice %arg4[%add3A_57, %dma_wait3A_91] : memref<8192x1024xf32, #tpu.memory_space<hbm>> -> memref<16x1024xf32, #tpu.memory_space<hbm>>
    tpu.wait_dma2 semaphore(%arg16 : memref<!tpu.dma_semaphore, #tpu.memory_space<semaphore_mem>>) src(%arg6 : memref<16x1024xf32, #tpu.memory_space<vmem>>) dst(%dma_wait3A_92 : memref<16x1024xf32, #tpu.memory_space<hbm>>)
    %add3A_93 = arith.constant 0 : i32
    %add3A_94 = arith.addi %add3A_93, %mul3A_2 : i32
    %add3A_95 = arith.constant 16 : i32
    %add3A_96 = arith.addi %add3A_94, %add3A_95 : i32
    %dma_start3A_97 = arith.constant 0 : i32
    %dma_start3A_98 = tpu.memref_slice %arg2[%add3A_96, %dma_start3A_97] : memref<8192x1024xf32, #tpu.memory_space<hbm>> -> memref<16x1024xf32, #tpu.memory_space<hbm>>
    %dma_start3A_99 = arith.constant 0 : i32
    %dma_start3A_100 = tpu.memref_slice %arg2[%add3A_96, %dma_start3A_99] : memref<8192x1024xf32, #tpu.memory_space<hbm>> -> memref<16x1024xf32, #tpu.memory_space<hbm>>
    tpu.enqueue_dma source(%dma_start3A_100 : memref<16x1024xf32, #tpu.memory_space<hbm>>) target(%arg6 : memref<16x1024xf32, #tpu.memory_space<vmem>>) target_semaphore(%arg11 : memref<!tpu.dma_semaphore, #tpu.memory_space<semaphore_mem>>)
    %add3A_101 = arith.constant 16 : i32
    %add3A_102 = arith.addi %mul3A_2, %add3A_101 : i32
    %dma_start3A_103 = arith.constant 0 : i32
    %dma_start3A_104 = tpu.memref_slice %arg3[%add3A_102, %dma_start3A_103] : memref<2048x1024xf32, #tpu.memory_space<hbm>> -> memref<16x1024xf32, #tpu.memory_space<hbm>>
    %dma_start3A_105 = arith.constant 0 : i32
    %dma_start3A_106 = tpu.memref_slice %arg3[%add3A_102, %dma_start3A_105] : memref<2048x1024xf32, #tpu.memory_space<hbm>> -> memref<16x1024xf32, #tpu.memory_space<hbm>>
    tpu.enqueue_dma source(%dma_start3A_106 : memref<16x1024xf32, #tpu.memory_space<hbm>>) target(%arg9 : memref<16x1024xf32, #tpu.memory_space<vmem>>) target_semaphore(%arg14 : memref<!tpu.dma_semaphore, #tpu.memory_space<semaphore_mem>>)
    %dma_wait3A_107 = arith.constant 0 : i32
    %dma_wait3A_108 = tpu.memref_slice %arg2[%add3A_69, %dma_wait3A_107] : memref<8192x1024xf32, #tpu.memory_space<hbm>> -> memref<16x1024xf32, #tpu.memory_space<hbm>>
    %dma_wait3A_109 = arith.constant 0 : i32
    %dma_wait3A_110 = tpu.memref_slice %arg2[%add3A_69, %dma_wait3A_109] : memref<8192x1024xf32, #tpu.memory_space<hbm>> -> memref<16x1024xf32, #tpu.memory_space<hbm>>
    tpu.wait_dma2 semaphore(%arg10 : memref<!tpu.dma_semaphore, #tpu.memory_space<semaphore_mem>>) src(%dma_wait3A_110 : memref<16x1024xf32, #tpu.memory_space<hbm>>) dst(%arg5 : memref<16x1024xf32, #tpu.memory_space<vmem>>)
    %parallel_loop3A_111 = arith.constant 0 : i32
    %parallel_loop3A_112 = arith.constant 1024 : i32
    %parallel_loop3A_113 = arith.constant 1 : i32
    scf.for %parallel_loop3A_470 = %parallel_loop3A_111 to %parallel_loop3A_112 step %parallel_loop3A_113  : i32 {
      %parallel_loop3A_471 = arith.constant 6 : i32
      %parallel_loop3A_472 = arith.shrsi %parallel_loop3A_470, %parallel_loop3A_471 : i32
      %parallel_loop3A_473 = arith.constant 63 : i32
      %parallel_loop3A_474 = arith.andi %parallel_loop3A_470, %parallel_loop3A_473 : i32
      %parallel_loop3A_475 = arith.constant 16 : i32
      %parallel_loop3A_476 = arith.muli %parallel_loop3A_474, %parallel_loop3A_475 : i32
      %parallel_loop3A_477 = arith.index_cast %parallel_loop3A_472 : i32 to index
      %parallel_loop3A_478 = arith.index_cast %parallel_loop3A_476 : i32 to index
      %parallel_loop3A_479 = tpu.vector_load %arg8[%parallel_loop3A_477, %parallel_loop3A_478] {strides = array<i32>} : memref<16x1024xf32, #tpu.memory_space<vmem>>, vector<1x16xf32>,
      %parallel_loop3A_480 = vector.shape_cast %parallel_loop3A_479 : vector<1x16xf32> to vector<16xf32>
      %parallel_loop3A_481 = arith.index_cast %parallel_loop3A_472 : i32 to index
      %parallel_loop3A_482 = arith.index_cast %parallel_loop3A_476 : i32 to index
      %parallel_loop3A_483 = tpu.vector_load %arg5[%parallel_loop3A_481, %parallel_loop3A_482] {strides = array<i32>} : memref<16x1024xf32, #tpu.memory_space<vmem>>, vector<1x16xf32>,
      %parallel_loop3A_484 = vector.shape_cast %parallel_loop3A_483 : vector<1x16xf32> to vector<16xf32>
      %parallel_loop3A_485 = vector.shape_cast %parallel_loop3A_480 : vector<16xf32> to vector<1x16xf32>
      tpu.vector_store %arg5[%parallel_loop3A_481, %parallel_loop3A_482], %parallel_loop3A_485 {add = true, strides = array<i32>} : memref<16x1024xf32, #tpu.memory_space<vmem>>, vector<1x16xf32>,
    } {sc.loop_unroll_factor = 8 : i64, sc.parallel_access}
    %add3A_114 = arith.constant 6144 : i32
    %add3A_115 = arith.addi %add3A_114, %mul3A_2 : i32
    %add3A_116 = arith.constant 0 : i32
    %add3A_117 = arith.addi %add3A_115, %add3A_116 : i32
    %dma_start3A_118 = arith.constant 0 : i32
    %dma_start3A_119 = tpu.memref_slice %arg4[%add3A_117, %dma_start3A_118] : memref<8192x1024xf32, #tpu.memory_space<hbm>> -> memref<16x1024xf32, #tpu.memory_space<hbm>>
    %dma_start3A_120 = arith.constant 0 : i32
    %dma_start3A_121 = tpu.memref_slice %arg4[%add3A_117, %dma_start3A_120] : memref<8192x1024xf32, #tpu.memory_space<hbm>> -> memref<16x1024xf32, #tpu.memory_space<hbm>>
    tpu.enqueue_dma source(%arg5 : memref<16x1024xf32, #tpu.memory_space<vmem>>) target(%dma_start3A_121 : memref<16x1024xf32, #tpu.memory_space<hbm>>) target_semaphore(%arg15 : memref<!tpu.dma_semaphore, #tpu.memory_space<semaphore_mem>>)
    %dma_wait3A_122 = arith.constant 0 : i32
    %dma_wait3A_123 = tpu.memref_slice %arg4[%add3A_84, %dma_wait3A_122] : memref<8192x1024xf32, #tpu.memory_space<hbm>> -> memref<16x1024xf32, #tpu.memory_space<hbm>>
    %dma_wait3A_124 = arith.constant 0 : i32
    %dma_wait3A_125 = tpu.memref_slice %arg4[%add3A_84, %dma_wait3A_124] : memref<8192x1024xf32, #tpu.memory_space<hbm>> -> memref<16x1024xf32, #tpu.memory_space<hbm>>
    tpu.wait_dma2 semaphore(%arg17 : memref<!tpu.dma_semaphore, #tpu.memory_space<semaphore_mem>>) src(%arg7 : memref<16x1024xf32, #tpu.memory_space<vmem>>) dst(%dma_wait3A_125 : memref<16x1024xf32, #tpu.memory_space<hbm>>)
    %add3A_126 = arith.constant 2048 : i32
    %add3A_127 = arith.addi %add3A_126, %mul3A_2 : i32
    %add3A_128 = arith.constant 16 : i32
    %add3A_129 = arith.addi %add3A_127, %add3A_128 : i32
    %dma_start3A_130 = arith.constant 0 : i32
    %dma_start3A_131 = tpu.memref_slice %arg2[%add3A_129, %dma_start3A_130] : memref<8192x1024xf32, #tpu.memory_space<hbm>> -> memref<16x1024xf32, #tpu.memory_space<hbm>>
    %dma_start3A_132 = arith.constant 0 : i32
    %dma_start3A_133 = tpu.memref_slice %arg2[%add3A_129, %dma_start3A_132] : memref<8192x1024xf32, #tpu.memory_space<hbm>> -> memref<16x1024xf32, #tpu.memory_space<hbm>>
    tpu.enqueue_dma source(%dma_start3A_133 : memref<16x1024xf32, #tpu.memory_space<hbm>>) target(%arg7 : memref<16x1024xf32, #tpu.memory_space<vmem>>) target_semaphore(%arg12 : memref<!tpu.dma_semaphore, #tpu.memory_space<semaphore_mem>>)
    %dma_wait3A_134 = arith.constant 0 : i32
    %dma_wait3A_135 = tpu.memref_slice %arg2[%add3A_96, %dma_wait3A_134] : memref<8192x1024xf32, #tpu.memory_space<hbm>> -> memref<16x1024xf32, #tpu.memory_space<hbm>>
    %dma_wait3A_136 = arith.constant 0 : i32
    %dma_wait3A_137 = tpu.memref_slice %arg2[%add3A_96, %dma_wait3A_136] : memref<8192x1024xf32, #tpu.memory_space<hbm>> -> memref<16x1024xf32, #tpu.memory_space<hbm>>
    tpu.wait_dma2 semaphore(%arg11 : memref<!tpu.dma_semaphore, #tpu.memory_space<semaphore_mem>>) src(%dma_wait3A_137 : memref<16x1024xf32, #tpu.memory_space<hbm>>) dst(%arg6 : memref<16x1024xf32, #tpu.memory_space<vmem>>)
    %dma_wait3A_138 = arith.constant 0 : i32
    %dma_wait3A_139 = tpu.memref_slice %arg3[%add3A_102, %dma_wait3A_138] : memref<2048x1024xf32, #tpu.memory_space<hbm>> -> memref<16x1024xf32, #tpu.memory_space<hbm>>
    %dma_wait3A_140 = arith.constant 0 : i32
    %dma_wait3A_141 = tpu.memref_slice %arg3[%add3A_102, %dma_wait3A_140] : memref<2048x1024xf32, #tpu.memory_space<hbm>> -> memref<16x1024xf32, #tpu.memory_space<hbm>>
    tpu.wait_dma2 semaphore(%arg14 : memref<!tpu.dma_semaphore, #tpu.memory_space<semaphore_mem>>) src(%dma_wait3A_141 : memref<16x1024xf32, #tpu.memory_space<hbm>>) dst(%arg9 : memref<16x1024xf32, #tpu.memory_space<vmem>>)
    %parallel_loop3A_142 = arith.constant 0 : i32
    %parallel_loop3A_143 = arith.constant 1024 : i32
    %parallel_loop3A_144 = arith.constant 1 : i32
    scf.for %parallel_loop3A_470 = %parallel_loop3A_142 to %parallel_loop3A_143 step %parallel_loop3A_144  : i32 {
      %parallel_loop3A_471 = arith.constant 6 : i32
      %parallel_loop3A_472 = arith.shrsi %parallel_loop3A_470, %parallel_loop3A_471 : i32
      %parallel_loop3A_473 = arith.constant 63 : i32
      %parallel_loop3A_474 = arith.andi %parallel_loop3A_470, %parallel_loop3A_473 : i32
      %parallel_loop3A_475 = arith.constant 16 : i32
      %parallel_loop3A_476 = arith.muli %parallel_loop3A_474, %parallel_loop3A_475 : i32
      %parallel_loop3A_477 = arith.index_cast %parallel_loop3A_472 : i32 to index
      %parallel_loop3A_478 = arith.index_cast %parallel_loop3A_476 : i32 to index
      %parallel_loop3A_479 = tpu.vector_load %arg9[%parallel_loop3A_477, %parallel_loop3A_478] {strides = array<i32>} : memref<16x1024xf32, #tpu.memory_space<vmem>>, vector<1x16xf32>,
      %parallel_loop3A_480 = vector.shape_cast %parallel_loop3A_479 : vector<1x16xf32> to vector<16xf32>
      %parallel_loop3A_481 = arith.index_cast %parallel_loop3A_472 : i32 to index
      %parallel_loop3A_482 = arith.index_cast %parallel_loop3A_476 : i32 to index
      %parallel_loop3A_483 = tpu.vector_load %arg6[%parallel_loop3A_481, %parallel_loop3A_482] {strides = array<i32>} : memref<16x1024xf32, #tpu.memory_space<vmem>>, vector<1x16xf32>,
      %parallel_loop3A_484 = vector.shape_cast %parallel_loop3A_483 : vector<1x16xf32> to vector<16xf32>
      %parallel_loop3A_485 = vector.shape_cast %parallel_loop3A_480 : vector<16xf32> to vector<1x16xf32>
      tpu.vector_store %arg6[%parallel_loop3A_481, %parallel_loop3A_482], %parallel_loop3A_485 {add = true, strides = array<i32>} : memref<16x1024xf32, #tpu.memory_space<vmem>>, vector<1x16xf32>,
    } {sc.loop_unroll_factor = 8 : i64, sc.parallel_access}
    %add3A_145 = arith.constant 0 : i32
    %add3A_146 = arith.addi %add3A_145, %mul3A_2 : i32
    %add3A_147 = arith.constant 16 : i32
    %add3A_148 = arith.addi %add3A_146, %add3A_147 : i32
    %dma_start3A_149 = arith.constant 0 : i32
    %dma_start3A_150 = tpu.memref_slice %arg4[%add3A_148, %dma_start3A_149] : memref<8192x1024xf32, #tpu.memory_space<hbm>> -> memref<16x1024xf32, #tpu.memory_space<hbm>>
    %dma_start3A_151 = arith.constant 0 : i32
    %dma_start3A_152 = tpu.memref_slice %arg4[%add3A_148, %dma_start3A_151] : memref<8192x1024xf32, #tpu.memory_space<hbm>> -> memref<16x1024xf32, #tpu.memory_space<hbm>>
    tpu.enqueue_dma source(%arg6 : memref<16x1024xf32, #tpu.memory_space<vmem>>) target(%dma_start3A_152 : memref<16x1024xf32, #tpu.memory_space<hbm>>) target_semaphore(%arg16 : memref<!tpu.dma_semaphore, #tpu.memory_space<semaphore_mem>>)
    %dma_wait3A_153 = arith.constant 0 : i32
    %dma_wait3A_154 = tpu.memref_slice %arg4[%add3A_117, %dma_wait3A_153] : memref<8192x1024xf32, #tpu.memory_space<hbm>> -> memref<16x1024xf32, #tpu.memory_space<hbm>>
    %dma_wait3A_155 = arith.constant 0 : i32
    %dma_wait3A_156 = tpu.memref_slice %arg4[%add3A_117, %dma_wait3A_155] : memref<8192x1024xf32, #tpu.memory_space<hbm>> -> memref<16x1024xf32, #tpu.memory_space<hbm>>
    tpu.wait_dma2 semaphore(%arg15 : memref<!tpu.dma_semaphore, #tpu.memory_space<semaphore_mem>>) src(%arg5 : memref<16x1024xf32, #tpu.memory_space<vmem>>) dst(%dma_wait3A_156 : memref<16x1024xf32, #tpu.memory_space<hbm>>)
    %add3A_157 = arith.constant 4096 : i32
    %add3A_158 = arith.addi %add3A_157, %mul3A_2 : i32
    %add3A_159 = arith.constant 16 : i32
    %add3A_160 = arith.addi %add3A_158, %add3A_159 : i32
    %dma_start3A_161 = arith.constant 0 : i32
    %dma_start3A_162 = tpu.memref_slice %arg2[%add3A_160, %dma_start3A_161] : memref<8192x1024xf32, #tpu.memory_space<hbm>> -> memref<16x1024xf32, #tpu.memory_space<hbm>>
    %dma_start3A_163 = arith.constant 0 : i32
    %dma_start3A_164 = tpu.memref_slice %arg2[%add3A_160, %dma_start3A_163] : memref<8192x1024xf32, #tpu.memory_space<hbm>> -> memref<16x1024xf32, #tpu.memory_space<hbm>>
    tpu.enqueue_dma source(%dma_start3A_164 : memref<16x1024xf32, #tpu.memory_space<hbm>>) target(%arg5 : memref<16x1024xf32, #tpu.memory_space<vmem>>) target_semaphore(%arg10 : memref<!tpu.dma_semaphore, #tpu.memory_space<semaphore_mem>>)
    %dma_wait3A_165 = arith.constant 0 : i32
    %dma_wait3A_166 = tpu.memref_slice %arg2[%add3A_129, %dma_wait3A_165] : memref<8192x1024xf32, #tpu.memory_space<hbm>> -> memref<16x1024xf32, #tpu.memory_space<hbm>>
    %dma_wait3A_167 = arith.constant 0 : i32
    %dma_wait3A_168 = tpu.memref_slice %arg2[%add3A_129, %dma_wait3A_167] : memref<8192x1024xf32, #tpu.memory_space<hbm>> -> memref<16x1024xf32, #tpu.memory_space<hbm>>
    tpu.wait_dma2 semaphore(%arg12 : memref<!tpu.dma_semaphore, #tpu.memory_space<semaphore_mem>>) src(%dma_wait3A_168 : memref<16x1024xf32, #tpu.memory_space<hbm>>) dst(%arg7 : memref<16x1024xf32, #tpu.memory_space<vmem>>)
    %parallel_loop3A_169 = arith.constant 0 : i32
    %parallel_loop3A_170 = arith.constant 1024 : i32
    %parallel_loop3A_171 = arith.constant 1 : i32
    scf.for %parallel_loop3A_470 = %parallel_loop3A_169 to %parallel_loop3A_170 step %parallel_loop3A_171  : i32 {
      %parallel_loop3A_471 = arith.constant 6 : i32
      %parallel_loop3A_472 = arith.shrsi %parallel_loop3A_470, %parallel_loop3A_471 : i32
      %parallel_loop3A_473 = arith.constant 63 : i32
      %parallel_loop3A_474 = arith.andi %parallel_loop3A_470, %parallel_loop3A_473 : i32
      %parallel_loop3A_475 = arith.constant 16 : i32
      %parallel_loop3A_476 = arith.muli %parallel_loop3A_474, %parallel_loop3A_475 : i32
      %parallel_loop3A_477 = arith.index_cast %parallel_loop3A_472 : i32 to index
      %parallel_loop3A_478 = arith.index_cast %parallel_loop3A_476 : i32 to index
      %parallel_loop3A_479 = tpu.vector_load %arg9[%parallel_loop3A_477, %parallel_loop3A_478] {strides = array<i32>} : memref<16x1024xf32, #tpu.memory_space<vmem>>, vector<1x16xf32>,
      %parallel_loop3A_480 = vector.shape_cast %parallel_loop3A_479 : vector<1x16xf32> to vector<16xf32>
      %parallel_loop3A_481 = arith.index_cast %parallel_loop3A_472 : i32 to index
      %parallel_loop3A_482 = arith.index_cast %parallel_loop3A_476 : i32 to index
      %parallel_loop3A_483 = tpu.vector_load %arg7[%parallel_loop3A_481, %parallel_loop3A_482] {strides = array<i32>} : memref<16x1024xf32, #tpu.memory_space<vmem>>, vector<1x16xf32>,
      %parallel_loop3A_484 = vector.shape_cast %parallel_loop3A_483 : vector<1x16xf32> to vector<16xf32>
      %parallel_loop3A_485 = vector.shape_cast %parallel_loop3A_480 : vector<16xf32> to vector<1x16xf32>
      tpu.vector_store %arg7[%parallel_loop3A_481, %parallel_loop3A_482], %parallel_loop3A_485 {add = true, strides = array<i32>} : memref<16x1024xf32, #tpu.memory_space<vmem>>, vector<1x16xf32>,
    } {sc.loop_unroll_factor = 8 : i64, sc.parallel_access}
    %add3A_172 = arith.constant 2048 : i32
    %add3A_173 = arith.addi %add3A_172, %mul3A_2 : i32
    %add3A_174 = arith.constant 16 : i32
    %add3A_175 = arith.addi %add3A_173, %add3A_174 : i32
    %dma_start3A_176 = arith.constant 0 : i32
    %dma_start3A_177 = tpu.memref_slice %arg4[%add3A_175, %dma_start3A_176] : memref<8192x1024xf32, #tpu.memory_space<hbm>> -> memref<16x1024xf32, #tpu.memory_space<hbm>>
    %dma_start3A_178 = arith.constant 0 : i32
    %dma_start3A_179 = tpu.memref_slice %arg4[%add3A_175, %dma_start3A_178] : memref<8192x1024xf32, #tpu.memory_space<hbm>> -> memref<16x1024xf32, #tpu.memory_space<hbm>>
    tpu.enqueue_dma source(%arg7 : memref<16x1024xf32, #tpu.memory_space<vmem>>) target(%dma_start3A_179 : memref<16x1024xf32, #tpu.memory_space<hbm>>) target_semaphore(%arg17 : memref<!tpu.dma_semaphore, #tpu.memory_space<semaphore_mem>>)
    %dma_wait3A_180 = arith.constant 0 : i32
    %dma_wait3A_181 = tpu.memref_slice %arg4[%add3A_148, %dma_wait3A_180] : memref<8192x1024xf32, #tpu.memory_space<hbm>> -> memref<16x1024xf32, #tpu.memory_space<hbm>>
    %dma_wait3A_182 = arith.constant 0 : i32
    %dma_wait3A_183 = tpu.memref_slice %arg4[%add3A_148, %dma_wait3A_182] : memref<8192x1024xf32, #tpu.memory_space<hbm>> -> memref<16x1024xf32, #tpu.memory_space<hbm>>
    tpu.wait_dma2 semaphore(%arg16 : memref<!tpu.dma_semaphore, #tpu.memory_space<semaphore_mem>>) src(%arg6 : memref<16x1024xf32, #tpu.memory_space<vmem>>) dst(%dma_wait3A_183 : memref<16x1024xf32, #tpu.memory_space<hbm>>)
    %add3A_184 = arith.constant 6144 : i32
    %add3A_185 = arith.addi %add3A_184, %mul3A_2 : i32
    %add3A_186 = arith.constant 16 : i32
    %add3A_187 = arith.addi %add3A_185, %add3A_186 : i32
    %dma_start3A_188 = arith.constant 0 : i32
    %dma_start3A_189 = tpu.memref_slice %arg2[%add3A_187, %dma_start3A_188] : memref<8192x1024xf32, #tpu.memory_space<hbm>> -> memref<16x1024xf32, #tpu.memory_space<hbm>>
    %dma_start3A_190 = arith.constant 0 : i32
    %dma_start3A_191 = tpu.memref_slice %arg2[%add3A_187, %dma_start3A_190] : memref<8192x1024xf32, #tpu.memory_space<hbm>> -> memref<16x1024xf32, #tpu.memory_space<hbm>>
    tpu.enqueue_dma source(%dma_start3A_191 : memref<16x1024xf32, #tpu.memory_space<hbm>>) target(%arg6 : memref<16x1024xf32, #tpu.memory_space<vmem>>) target_semaphore(%arg11 : memref<!tpu.dma_semaphore, #tpu.memory_space<semaphore_mem>>)
    %dma_wait3A_192 = arith.constant 0 : i32
    %dma_wait3A_193 = tpu.memref_slice %arg2[%add3A_160, %dma_wait3A_192] : memref<8192x1024xf32, #tpu.memory_space<hbm>> -> memref<16x1024xf32, #tpu.memory_space<hbm>>
    %dma_wait3A_194 = arith.constant 0 : i32
    %dma_wait3A_195 = tpu.memref_slice %arg2[%add3A_160, %dma_wait3A_194] : memref<8192x1024xf32, #tpu.memory_space<hbm>> -> memref<16x1024xf32, #tpu.memory_space<hbm>>
    tpu.wait_dma2 semaphore(%arg10 : memref<!tpu.dma_semaphore, #tpu.memory_space<semaphore_mem>>) src(%dma_wait3A_195 : memref<16x1024xf32, #tpu.memory_space<hbm>>) dst(%arg5 : memref<16x1024xf32, #tpu.memory_space<vmem>>)
    %parallel_loop3A_196 = arith.constant 0 : i32
    %parallel_loop3A_197 = arith.constant 1024 : i32
    %parallel_loop3A_198 = arith.constant 1 : i32
    scf.for %parallel_loop3A_470 = %parallel_loop3A_196 to %parallel_loop3A_197 step %parallel_loop3A_198  : i32 {
      %parallel_loop3A_471 = arith.constant 6 : i32
      %parallel_loop3A_472 = arith.shrsi %parallel_loop3A_470, %parallel_loop3A_471 : i32
      %parallel_loop3A_473 = arith.constant 63 : i32
      %parallel_loop3A_474 = arith.andi %parallel_loop3A_470, %parallel_loop3A_473 : i32
      %parallel_loop3A_475 = arith.constant 16 : i32
      %parallel_loop3A_476 = arith.muli %parallel_loop3A_474, %parallel_loop3A_475 : i32
      %parallel_loop3A_477 = arith.index_cast %parallel_loop3A_472 : i32 to index
      %parallel_loop3A_478 = arith.index_cast %parallel_loop3A_476 : i32 to index
      %parallel_loop3A_479 = tpu.vector_load %arg9[%parallel_loop3A_477, %parallel_loop3A_478] {strides = array<i32>} : memref<16x1024xf32, #tpu.memory_space<vmem>>, vector<1x16xf32>,
      %parallel_loop3A_480 = vector.shape_cast %parallel_loop3A_479 : vector<1x16xf32> to vector<16xf32>
      %parallel_loop3A_481 = arith.index_cast %parallel_loop3A_472 : i32 to index
      %parallel_loop3A_482 = arith.index_cast %parallel_loop3A_476 : i32 to index
      %parallel_loop3A_483 = tpu.vector_load %arg5[%parallel_loop3A_481, %parallel_loop3A_482] {strides = array<i32>} : memref<16x1024xf32, #tpu.memory_space<vmem>>, vector<1x16xf32>,
      %parallel_loop3A_484 = vector.shape_cast %parallel_loop3A_483 : vector<1x16xf32> to vector<16xf32>
      %parallel_loop3A_485 = vector.shape_cast %parallel_loop3A_480 : vector<16xf32> to vector<1x16xf32>
      tpu.vector_store %arg5[%parallel_loop3A_481, %parallel_loop3A_482], %parallel_loop3A_485 {add = true, strides = array<i32>} : memref<16x1024xf32, #tpu.memory_space<vmem>>, vector<1x16xf32>,
    } {sc.loop_unroll_factor = 8 : i64, sc.parallel_access}
    %add3A_199 = arith.constant 4096 : i32
    %add3A_200 = arith.addi %add3A_199, %mul3A_2 : i32
    %add3A_201 = arith.constant 16 : i32
    %add3A_202 = arith.addi %add3A_200, %add3A_201 : i32
    %dma_start3A_203 = arith.constant 0 : i32
    %dma_start3A_204 = tpu.memref_slice %arg4[%add3A_202, %dma_start3A_203] : memref<8192x1024xf32, #tpu.memory_space<hbm>> -> memref<16x1024xf32, #tpu.memory_space<hbm>>
    %dma_start3A_205 = arith.constant 0 : i32
    %dma_start3A_206 = tpu.memref_slice %arg4[%add3A_202, %dma_start3A_205] : memref<8192x1024xf32, #tpu.memory_space<hbm>> -> memref<16x1024xf32, #tpu.memory_space<hbm>>
    tpu.enqueue_dma source(%arg5 : memref<16x1024xf32, #tpu.memory_space<vmem>>) target(%dma_start3A_206 : memref<16x1024xf32, #tpu.memory_space<hbm>>) target_semaphore(%arg15 : memref<!tpu.dma_semaphore, #tpu.memory_space<semaphore_mem>>)
    %dma_wait3A_207 = arith.constant 0 : i32
    %dma_wait3A_208 = tpu.memref_slice %arg4[%add3A_175, %dma_wait3A_207] : memref<8192x1024xf32, #tpu.memory_space<hbm>> -> memref<16x1024xf32, #tpu.memory_space<hbm>>
    %dma_wait3A_209 = arith.constant 0 : i32
    %dma_wait3A_210 = tpu.memref_slice %arg4[%add3A_175, %dma_wait3A_209] : memref<8192x1024xf32, #tpu.memory_space<hbm>> -> memref<16x1024xf32, #tpu.memory_space<hbm>>
    tpu.wait_dma2 semaphore(%arg17 : memref<!tpu.dma_semaphore, #tpu.memory_space<semaphore_mem>>) src(%arg7 : memref<16x1024xf32, #tpu.memory_space<vmem>>) dst(%dma_wait3A_210 : memref<16x1024xf32, #tpu.memory_space<hbm>>)
    %add3A_211 = arith.constant 0 : i32
    %add3A_212 = arith.addi %add3A_211, %mul3A_2 : i32
    %add3A_213 = arith.constant 32 : i32
    %add3A_214 = arith.addi %add3A_212, %add3A_213 : i32
    %dma_start3A_215 = arith.constant 0 : i32
    %dma_start3A_216 = tpu.memref_slice %arg2[%add3A_214, %dma_start3A_215] : memref<8192x1024xf32, #tpu.memory_space<hbm>> -> memref<16x1024xf32, #tpu.memory_space<hbm>>
    %dma_start3A_217 = arith.constant 0 : i32
    %dma_start3A_218 = tpu.memref_slice %arg2[%add3A_214, %dma_start3A_217] : memref<8192x1024xf32, #tpu.memory_space<hbm>> -> memref<16x1024xf32, #tpu.memory_space<hbm>>
    tpu.enqueue_dma source(%dma_start3A_218 : memref<16x1024xf32, #tpu.memory_space<hbm>>) target(%arg7 : memref<16x1024xf32, #tpu.memory_space<vmem>>) target_semaphore(%arg12 : memref<!tpu.dma_semaphore, #tpu.memory_space<semaphore_mem>>)
    %add3A_219 = arith.constant 32 : i32
    %add3A_220 = arith.addi %mul3A_2, %add3A_219 : i32
    %dma_start3A_221 = arith.constant 0 : i32
    %dma_start3A_222 = tpu.memref_slice %arg3[%add3A_220, %dma_start3A_221] : memref<2048x1024xf32, #tpu.memory_space<hbm>> -> memref<16x1024xf32, #tpu.memory_space<hbm>>
    %dma_start3A_223 = arith.constant 0 : i32
    %dma_start3A_224 = tpu.memref_slice %arg3[%add3A_220, %dma_start3A_223] : memref<2048x1024xf32, #tpu.memory_space<hbm>> -> memref<16x1024xf32, #tpu.memory_space<hbm>>
    tpu.enqueue_dma source(%dma_start3A_224 : memref<16x1024xf32, #tpu.memory_space<hbm>>) target(%arg8 : memref<16x1024xf32, #tpu.memory_space<vmem>>) target_semaphore(%arg13 : memref<!tpu.dma_semaphore, #tpu.memory_space<semaphore_mem>>)
    %dma_wait3A_225 = arith.constant 0 : i32
    %dma_wait3A_226 = tpu.memref_slice %arg2[%add3A_187, %dma_wait3A_225] : memref<8192x1024xf32, #tpu.memory_space<hbm>> -> memref<16x1024xf32, #tpu.memory_space<hbm>>
    %dma_wait3A_227 = arith.constant 0 : i32
    %dma_wait3A_228 = tpu.memref_slice %arg2[%add3A_187, %dma_wait3A_227] : memref<8192x1024xf32, #tpu.memory_space<hbm>> -> memref<16x1024xf32, #tpu.memory_space<hbm>>
    tpu.wait_dma2 semaphore(%arg11 : memref<!tpu.dma_semaphore, #tpu.memory_space<semaphore_mem>>) src(%dma_wait3A_228 : memref<16x1024xf32, #tpu.memory_space<hbm>>) dst(%arg6 : memref<16x1024xf32, #tpu.memory_space<vmem>>)
    %parallel_loop3A_229 = arith.constant 0 : i32
    %parallel_loop3A_230 = arith.constant 1024 : i32
    %parallel_loop3A_231 = arith.constant 1 : i32
    scf.for %parallel_loop3A_470 = %parallel_loop3A_229 to %parallel_loop3A_230 step %parallel_loop3A_231  : i32 {
      %parallel_loop3A_471 = arith.constant 6 : i32
      %parallel_loop3A_472 = arith.shrsi %parallel_loop3A_470, %parallel_loop3A_471 : i32
      %parallel_loop3A_473 = arith.constant 63 : i32
      %parallel_loop3A_474 = arith.andi %parallel_loop3A_470, %parallel_loop3A_473 : i32
      %parallel_loop3A_475 = arith.constant 16 : i32
      %parallel_loop3A_476 = arith.muli %parallel_loop3A_474, %parallel_loop3A_475 : i32
      %parallel_loop3A_477 = arith.index_cast %parallel_loop3A_472 : i32 to index
      %parallel_loop3A_478 = arith.index_cast %parallel_loop3A_476 : i32 to index
      %parallel_loop3A_479 = tpu.vector_load %arg9[%parallel_loop3A_477, %parallel_loop3A_478] {strides = array<i32>} : memref<16x1024xf32, #tpu.memory_space<vmem>>, vector<1x16xf32>,
      %parallel_loop3A_480 = vector.shape_cast %parallel_loop3A_479 : vector<1x16xf32> to vector<16xf32>
      %parallel_loop3A_481 = arith.index_cast %parallel_loop3A_472 : i32 to index
      %parallel_loop3A_482 = arith.index_cast %parallel_loop3A_476 : i32 to index
      %parallel_loop3A_483 = tpu.vector_load %arg6[%parallel_loop3A_481, %parallel_loop3A_482] {strides = array<i32>} : memref<16x1024xf32, #tpu.memory_space<vmem>>, vector<1x16xf32>,
      %parallel_loop3A_484 = vector.shape_cast %parallel_loop3A_483 : vector<1x16xf32> to vector<16xf32>
      %parallel_loop3A_485 = vector.shape_cast %parallel_loop3A_480 : vector<16xf32> to vector<1x16xf32>
      tpu.vector_store %arg6[%parallel_loop3A_481, %parallel_loop3A_482], %parallel_loop3A_485 {add = true, strides = array<i32>} : memref<16x1024xf32, #tpu.memory_space<vmem>>, vector<1x16xf32>,
    } {sc.loop_unroll_factor = 8 : i64, sc.parallel_access}
    %add3A_232 = arith.constant 6144 : i32
    %add3A_233 = arith.addi %add3A_232, %mul3A_2 : i32
    %add3A_234 = arith.constant 16 : i32
    %add3A_235 = arith.addi %add3A_233, %add3A_234 : i32
    %dma_start3A_236 = arith.constant 0 : i32
    %dma_start3A_237 = tpu.memref_slice %arg4[%add3A_235, %dma_start3A_236] : memref<8192x1024xf32, #tpu.memory_space<hbm>> -> memref<16x1024xf32, #tpu.memory_space<hbm>>
    %dma_start3A_238 = arith.constant 0 : i32
    %dma_start3A_239 = tpu.memref_slice %arg4[%add3A_235, %dma_start3A_238] : memref<8192x1024xf32, #tpu.memory_space<hbm>> -> memref<16x1024xf32, #tpu.memory_space<hbm>>
    tpu.enqueue_dma source(%arg6 : memref<16x1024xf32, #tpu.memory_space<vmem>>) target(%dma_start3A_239 : memref<16x1024xf32, #tpu.memory_space<hbm>>) target_semaphore(%arg16 : memref<!tpu.dma_semaphore, #tpu.memory_space<semaphore_mem>>)
    %dma_wait3A_240 = arith.constant 0 : i32
    %dma_wait3A_241 = tpu.memref_slice %arg4[%add3A_202, %dma_wait3A_240] : memref<8192x1024xf32, #tpu.memory_space<hbm>> -> memref<16x1024xf32, #tpu.memory_space<hbm>>
    %dma_wait3A_242 = arith.constant 0 : i32
    %dma_wait3A_243 = tpu.memref_slice %arg4[%add3A_202, %dma_wait3A_242] : memref<8192x1024xf32, #tpu.memory_space<hbm>> -> memref<16x1024xf32, #tpu.memory_space<hbm>>
    tpu.wait_dma2 semaphore(%arg15 : memref<!tpu.dma_semaphore, #tpu.memory_space<semaphore_mem>>) src(%arg5 : memref<16x1024xf32, #tpu.memory_space<vmem>>) dst(%dma_wait3A_243 : memref<16x1024xf32, #tpu.memory_space<hbm>>)
    %add3A_244 = arith.constant 2048 : i32
    %add3A_245 = arith.addi %add3A_244, %mul3A_2 : i32
    %add3A_246 = arith.constant 32 : i32
    %add3A_247 = arith.addi %add3A_245, %add3A_246 : i32
    %dma_start3A_248 = arith.constant 0 : i32
    %dma_start3A_249 = tpu.memref_slice %arg2[%add3A_247, %dma_start3A_248] : memref<8192x1024xf32, #tpu.memory_space<hbm>> -> memref<16x1024xf32, #tpu.memory_space<hbm>>
    %dma_start3A_250 = arith.constant 0 : i32
    %dma_start3A_251 = tpu.memref_slice %arg2[%add3A_247, %dma_start3A_250] : memref<8192x1024xf32, #tpu.memory_space<hbm>> -> memref<16x1024xf32, #tpu.memory_space<hbm>>
    tpu.enqueue_dma source(%dma_start3A_251 : memref<16x1024xf32, #tpu.memory_space<hbm>>) target(%arg5 : memref<16x1024xf32, #tpu.memory_space<vmem>>) target_semaphore(%arg10 : memref<!tpu.dma_semaphore, #tpu.memory_space<semaphore_mem>>)
    %dma_wait3A_252 = arith.constant 0 : i32
    %dma_wait3A_253 = tpu.memref_slice %arg2[%add3A_214, %dma_wait3A_252] : memref<8192x1024xf32, #tpu.memory_space<hbm>> -> memref<16x1024xf32, #tpu.memory_space<hbm>>
    %dma_wait3A_254 = arith.constant 0 : i32
    %dma_wait3A_255 = tpu.memref_slice %arg2[%add3A_214, %dma_wait3A_254] : memref<8192x1024xf32, #tpu.memory_space<hbm>> -> memref<16x1024xf32, #tpu.memory_space<hbm>>
    tpu.wait_dma2 semaphore(%arg12 : memref<!tpu.dma_semaphore, #tpu.memory_space<semaphore_mem>>) src(%dma_wait3A_255 : memref<16x1024xf32, #tpu.memory_space<hbm>>) dst(%arg7 : memref<16x1024xf32, #tpu.memory_space<vmem>>)
    %dma_wait3A_256 = arith.constant 0 : i32
    %dma_wait3A_257 = tpu.memref_slice %arg3[%add3A_220, %dma_wait3A_256] : memref<2048x1024xf32, #tpu.memory_space<hbm>> -> memref<16x1024xf32, #tpu.memory_space<hbm>>
    %dma_wait3A_258 = arith.constant 0 : i32
    %dma_wait3A_259 = tpu.memref_slice %arg3[%add3A_220, %dma_wait3A_258] : memref<2048x1024xf32, #tpu.memory_space<hbm>> -> memref<16x1024xf32, #tpu.memory_space<hbm>>
    tpu.wait_dma2 semaphore(%arg13 : memref<!tpu.dma_semaphore, #tpu.memory_space<semaphore_mem>>) src(%dma_wait3A_259 : memref<16x1024xf32, #tpu.memory_space<hbm>>) dst(%arg8 : memref<16x1024xf32, #tpu.memory_space<vmem>>)
    %parallel_loop3A_260 = arith.constant 0 : i32
    %parallel_loop3A_261 = arith.constant 1024 : i32
    %parallel_loop3A_262 = arith.constant 1 : i32
    scf.for %parallel_loop3A_470 = %parallel_loop3A_260 to %parallel_loop3A_261 step %parallel_loop3A_262  : i32 {
      %parallel_loop3A_471 = arith.constant 6 : i32
      %parallel_loop3A_472 = arith.shrsi %parallel_loop3A_470, %parallel_loop3A_471 : i32
      %parallel_loop3A_473 = arith.constant 63 : i32
      %parallel_loop3A_474 = arith.andi %parallel_loop3A_470, %parallel_loop3A_473 : i32
      %parallel_loop3A_475 = arith.constant 16 : i32
      %parallel_loop3A_476 = arith.muli %parallel_loop3A_474, %parallel_loop3A_475 : i32
      %parallel_loop3A_477 = arith.index_cast %parallel_loop3A_472 : i32 to index
      %parallel_loop3A_478 = arith.index_cast %parallel_loop3A_476 : i32 to index
      %parallel_loop3A_479 = tpu.vector_load %arg8[%parallel_loop3A_477, %parallel_loop3A_478] {strides = array<i32>} : memref<16x1024xf32, #tpu.memory_space<vmem>>, vector<1x16xf32>,
      %parallel_loop3A_480 = vector.shape_cast %parallel_loop3A_479 : vector<1x16xf32> to vector<16xf32>
      %parallel_loop3A_481 = arith.index_cast %parallel_loop3A_472 : i32 to index
      %parallel_loop3A_482 = arith.index_cast %parallel_loop3A_476 : i32 to index
      %parallel_loop3A_483 = tpu.vector_load %arg7[%parallel_loop3A_481, %parallel_loop3A_482] {strides = array<i32>} : memref<16x1024xf32, #tpu.memory_space<vmem>>, vector<1x16xf32>,
      %parallel_loop3A_484 = vector.shape_cast %parallel_loop3A_483 : vector<1x16xf32> to vector<16xf32>
      %parallel_loop3A_485 = vector.shape_cast %parallel_loop3A_480 : vector<16xf32> to vector<1x16xf32>
      tpu.vector_store %arg7[%parallel_loop3A_481, %parallel_loop3A_482], %parallel_loop3A_485 {add = true, strides = array<i32>} : memref<16x1024xf32, #tpu.memory_space<vmem>>, vector<1x16xf32>,
    } {sc.loop_unroll_factor = 8 : i64, sc.parallel_access}
    %add3A_263 = arith.constant 0 : i32
    %add3A_264 = arith.addi %add3A_263, %mul3A_2 : i32
    %add3A_265 = arith.constant 32 : i32
    %add3A_266 = arith.addi %add3A_264, %add3A_265 : i32
    %dma_start3A_267 = arith.constant 0 : i32
    %dma_start3A_268 = tpu.memref_slice %arg4[%add3A_266, %dma_start3A_267] : memref<8192x1024xf32, #tpu.memory_space<hbm>> -> memref<16x1024xf32, #tpu.memory_space<hbm>>
    %dma_start3A_269 = arith.constant 0 : i32
    %dma_start3A_270 = tpu.memref_slice %arg4[%add3A_266, %dma_start3A_269] : memref<8192x1024xf32, #tpu.memory_space<hbm>> -> memref<16x1024xf32, #tpu.memory_space<hbm>>
    tpu.enqueue_dma source(%arg7 : memref<16x1024xf32, #tpu.memory_space<vmem>>) target(%dma_start3A_270 : memref<16x1024xf32, #tpu.memory_space<hbm>>) target_semaphore(%arg17 : memref<!tpu.dma_semaphore, #tpu.memory_space<semaphore_mem>>)
    %dma_wait3A_271 = arith.constant 0 : i32
    %dma_wait3A_272 = tpu.memref_slice %arg4[%add3A_235, %dma_wait3A_271] : memref<8192x1024xf32, #tpu.memory_space<hbm>> -> memref<16x1024xf32, #tpu.memory_space<hbm>>
    %dma_wait3A_273 = arith.constant 0 : i32
    %dma_wait3A_274 = tpu.memref_slice %arg4[%add3A_235, %dma_wait3A_273] : memref<8192x1024xf32, #tpu.memory_space<hbm>> -> memref<16x1024xf32, #tpu.memory_space<hbm>>
    tpu.wait_dma2 semaphore(%arg16 : memref<!tpu.dma_semaphore, #tpu.memory_space<semaphore_mem>>) src(%arg6 : memref<16x1024xf32, #tpu.memory_space<vmem>>) dst(%dma_wait3A_274 : memref<16x1024xf32, #tpu.memory_space<hbm>>)
    %add3A_275 = arith.constant 4096 : i32
    %add3A_276 = arith.addi %add3A_275, %mul3A_2 : i32
    %add3A_277 = arith.constant 32 : i32
    %add3A_278 = arith.addi %add3A_276, %add3A_277 : i32
    %dma_start3A_279 = arith.constant 0 : i32
    %dma_start3A_280 = tpu.memref_slice %arg2[%add3A_278, %dma_start3A_279] : memref<8192x1024xf32, #tpu.memory_space<hbm>> -> memref<16x1024xf32, #tpu.memory_space<hbm>>
    %dma_start3A_281 = arith.constant 0 : i32
    %dma_start3A_282 = tpu.memref_slice %arg2[%add3A_278, %dma_start3A_281] : memref<8192x1024xf32, #tpu.memory_space<hbm>> -> memref<16x1024xf32, #tpu.memory_space<hbm>>
    tpu.enqueue_dma source(%dma_start3A_282 : memref<16x1024xf32, #tpu.memory_space<hbm>>) target(%arg6 : memref<16x1024xf32, #tpu.memory_space<vmem>>) target_semaphore(%arg11 : memref<!tpu.dma_semaphore, #tpu.memory_space<semaphore_mem>>)
    %dma_wait3A_283 = arith.constant 0 : i32
    %dma_wait3A_284 = tpu.memref_slice %arg2[%add3A_247, %dma_wait3A_283] : memref<8192x1024xf32, #tpu.memory_space<hbm>> -> memref<16x1024xf32, #tpu.memory_space<hbm>>
    %dma_wait3A_285 = arith.constant 0 : i32
    %dma_wait3A_286 = tpu.memref_slice %arg2[%add3A_247, %dma_wait3A_285] : memref<8192x1024xf32, #tpu.memory_space<hbm>> -> memref<16x1024xf32, #tpu.memory_space<hbm>>
    tpu.wait_dma2 semaphore(%arg10 : memref<!tpu.dma_semaphore, #tpu.memory_space<semaphore_mem>>) src(%dma_wait3A_286 : memref<16x1024xf32, #tpu.memory_space<hbm>>) dst(%arg5 : memref<16x1024xf32, #tpu.memory_space<vmem>>)
    %parallel_loop3A_287 = arith.constant 0 : i32
    %parallel_loop3A_288 = arith.constant 1024 : i32
    %parallel_loop3A_289 = arith.constant 1 : i32
    scf.for %parallel_loop3A_470 = %parallel_loop3A_287 to %parallel_loop3A_288 step %parallel_loop3A_289  : i32 {
      %parallel_loop3A_471 = arith.constant 6 : i32
      %parallel_loop3A_472 = arith.shrsi %parallel_loop3A_470, %parallel_loop3A_471 : i32
      %parallel_loop3A_473 = arith.constant 63 : i32
      %parallel_loop3A_474 = arith.andi %parallel_loop3A_470, %parallel_loop3A_473 : i32
      %parallel_loop3A_475 = arith.constant 16 : i32
      %parallel_loop3A_476 = arith.muli %parallel_loop3A_474, %parallel_loop3A_475 : i32
      %parallel_loop3A_477 = arith.index_cast %parallel_loop3A_472 : i32 to index
      %parallel_loop3A_478 = arith.index_cast %parallel_loop3A_476 : i32 to index
      %parallel_loop3A_479 = tpu.vector_load %arg8[%parallel_loop3A_477, %parallel_loop3A_478] {strides = array<i32>} : memref<16x1024xf32, #tpu.memory_space<vmem>>, vector<1x16xf32>,
      %parallel_loop3A_480 = vector.shape_cast %parallel_loop3A_479 : vector<1x16xf32> to vector<16xf32>
      %parallel_loop3A_481 = arith.index_cast %parallel_loop3A_472 : i32 to index
      %parallel_loop3A_482 = arith.index_cast %parallel_loop3A_476 : i32 to index
      %parallel_loop3A_483 = tpu.vector_load %arg5[%parallel_loop3A_481, %parallel_loop3A_482] {strides = array<i32>} : memref<16x1024xf32, #tpu.memory_space<vmem>>, vector<1x16xf32>,
      %parallel_loop3A_484 = vector.shape_cast %parallel_loop3A_483 : vector<1x16xf32> to vector<16xf32>
      %parallel_loop3A_485 = vector.shape_cast %parallel_loop3A_480 : vector<16xf32> to vector<1x16xf32>
      tpu.vector_store %arg5[%parallel_loop3A_481, %parallel_loop3A_482], %parallel_loop3A_485 {add = true, strides = array<i32>} : memref<16x1024xf32, #tpu.memory_space<vmem>>, vector<1x16xf32>,
    } {sc.loop_unroll_factor = 8 : i64, sc.parallel_access}
    %add3A_290 = arith.constant 2048 : i32
    %add3A_291 = arith.addi %add3A_290, %mul3A_2 : i32
    %add3A_292 = arith.constant 32 : i32
    %add3A_293 = arith.addi %add3A_291, %add3A_292 : i32
    %dma_start3A_294 = arith.constant 0 : i32
    %dma_start3A_295 = tpu.memref_slice %arg4[%add3A_293, %dma_start3A_294] : memref<8192x1024xf32, #tpu.memory_space<hbm>> -> memref<16x1024xf32, #tpu.memory_space<hbm>>
    %dma_start3A_296 = arith.constant 0 : i32
    %dma_start3A_297 = tpu.memref_slice %arg4[%add3A_293, %dma_start3A_296] : memref<8192x1024xf32, #tpu.memory_space<hbm>> -> memref<16x1024xf32, #tpu.memory_space<hbm>>
    tpu.enqueue_dma source(%arg5 : memref<16x1024xf32, #tpu.memory_space<vmem>>) target(%dma_start3A_297 : memref<16x1024xf32, #tpu.memory_space<hbm>>) target_semaphore(%arg15 : memref<!tpu.dma_semaphore, #tpu.memory_space<semaphore_mem>>)
    %dma_wait3A_298 = arith.constant 0 : i32
    %dma_wait3A_299 = tpu.memref_slice %arg4[%add3A_266, %dma_wait3A_298] : memref<8192x1024xf32, #tpu.memory_space<hbm>> -> memref<16x1024xf32, #tpu.memory_space<hbm>>
    %dma_wait3A_300 = arith.constant 0 : i32
    %dma_wait3A_301 = tpu.memref_slice %arg4[%add3A_266, %dma_wait3A_300] : memref<8192x1024xf32, #tpu.memory_space<hbm>> -> memref<16x1024xf32, #tpu.memory_space<hbm>>
    tpu.wait_dma2 semaphore(%arg17 : memref<!tpu.dma_semaphore, #tpu.memory_space<semaphore_mem>>) src(%arg7 : memref<16x1024xf32, #tpu.memory_space<vmem>>) dst(%dma_wait3A_301 : memref<16x1024xf32, #tpu.memory_space<hbm>>)
    %add3A_302 = arith.constant 6144 : i32
    %add3A_303 = arith.addi %add3A_302, %mul3A_2 : i32
    %add3A_304 = arith.constant 32 : i32
    %add3A_305 = arith.addi %add3A_303, %add3A_304 : i32
    %dma_start3A_306 = arith.constant 0 : i32
    %dma_start3A_307 = tpu.memref_slice %arg2[%add3A_305, %dma_start3A_306] : memref<8192x1024xf32, #tpu.memory_space<hbm>> -> memref<16x1024xf32, #tpu.memory_space<hbm>>
    %dma_start3A_308 = arith.constant 0 : i32
    %dma_start3A_309 = tpu.memref_slice %arg2[%add3A_305, %dma_start3A_308] : memref<8192x1024xf32, #tpu.memory_space<hbm>> -> memref<16x1024xf32, #tpu.memory_space<hbm>>
    tpu.enqueue_dma source(%dma_start3A_309 : memref<16x1024xf32, #tpu.memory_space<hbm>>) target(%arg7 : memref<16x1024xf32, #tpu.memory_space<vmem>>) target_semaphore(%arg12 : memref<!tpu.dma_semaphore, #tpu.memory_space<semaphore_mem>>)
    %dma_wait3A_310 = arith.constant 0 : i32
    %dma_wait3A_311 = tpu.memref_slice %arg2[%add3A_278, %dma_wait3A_310] : memref<8192x1024xf32, #tpu.memory_space<hbm>> -> memref<16x1024xf32, #tpu.memory_space<hbm>>
    %dma_wait3A_312 = arith.constant 0 : i32
    %dma_wait3A_313 = tpu.memref_slice %arg2[%add3A_278, %dma_wait3A_312] : memref<8192x1024xf32, #tpu.memory_space<hbm>> -> memref<16x1024xf32, #tpu.memory_space<hbm>>
    tpu.wait_dma2 semaphore(%arg11 : memref<!tpu.dma_semaphore, #tpu.memory_space<semaphore_mem>>) src(%dma_wait3A_313 : memref<16x1024xf32, #tpu.memory_space<hbm>>) dst(%arg6 : memref<16x1024xf32, #tpu.memory_space<vmem>>)
    %parallel_loop3A_314 = arith.constant 0 : i32
    %parallel_loop3A_315 = arith.constant 1024 : i32
    %parallel_loop3A_316 = arith.constant 1 : i32
    scf.for %parallel_loop3A_470 = %parallel_loop3A_314 to %parallel_loop3A_315 step %parallel_loop3A_316  : i32 {
      %parallel_loop3A_471 = arith.constant 6 : i32
      %parallel_loop3A_472 = arith.shrsi %parallel_loop3A_470, %parallel_loop3A_471 : i32
      %parallel_loop3A_473 = arith.constant 63 : i32
      %parallel_loop3A_474 = arith.andi %parallel_loop3A_470, %parallel_loop3A_473 : i32
      %parallel_loop3A_475 = arith.constant 16 : i32
      %parallel_loop3A_476 = arith.muli %parallel_loop3A_474, %parallel_loop3A_475 : i32
      %parallel_loop3A_477 = arith.index_cast %parallel_loop3A_472 : i32 to index
      %parallel_loop3A_478 = arith.index_cast %parallel_loop3A_476 : i32 to index
      %parallel_loop3A_479 = tpu.vector_load %arg8[%parallel_loop3A_477, %parallel_loop3A_478] {strides = array<i32>} : memref<16x1024xf32, #tpu.memory_space<vmem>>, vector<1x16xf32>,
      %parallel_loop3A_480 = vector.shape_cast %parallel_loop3A_479 : vector<1x16xf32> to vector<16xf32>
      %parallel_loop3A_481 = arith.index_cast %parallel_loop3A_472 : i32 to index
      %parallel_loop3A_482 = arith.index_cast %parallel_loop3A_476 : i32 to index
      %parallel_loop3A_483 = tpu.vector_load %arg6[%parallel_loop3A_481, %parallel_loop3A_482] {strides = array<i32>} : memref<16x1024xf32, #tpu.memory_space<vmem>>, vector<1x16xf32>,
      %parallel_loop3A_484 = vector.shape_cast %parallel_loop3A_483 : vector<1x16xf32> to vector<16xf32>
      %parallel_loop3A_485 = vector.shape_cast %parallel_loop3A_480 : vector<16xf32> to vector<1x16xf32>
      tpu.vector_store %arg6[%parallel_loop3A_481, %parallel_loop3A_482], %parallel_loop3A_485 {add = true, strides = array<i32>} : memref<16x1024xf32, #tpu.memory_space<vmem>>, vector<1x16xf32>,
    } {sc.loop_unroll_factor = 8 : i64, sc.parallel_access}
    %add3A_317 = arith.constant 4096 : i32
    %add3A_318 = arith.addi %add3A_317, %mul3A_2 : i32
    %add3A_319 = arith.constant 32 : i32
    %add3A_320 = arith.addi %add3A_318, %add3A_319 : i32
    %dma_start3A_321 = arith.constant 0 : i32
    %dma_start3A_322 = tpu.memref_slice %arg4[%add3A_320, %dma_start3A_321] : memref<8192x1024xf32, #tpu.memory_space<hbm>> -> memref<16x1024xf32, #tpu.memory_space<hbm>>
    %dma_start3A_323 = arith.constant 0 : i32
    %dma_start3A_324 = tpu.memref_slice %arg4[%add3A_320, %dma_start3A_323] : memref<8192x1024xf32, #tpu.memory_space<hbm>> -> memref<16x1024xf32, #tpu.memory_space<hbm>>
    tpu.enqueue_dma source(%arg6 : memref<16x1024xf32, #tpu.memory_space<vmem>>) target(%dma_start3A_324 : memref<16x1024xf32, #tpu.memory_space<hbm>>) target_semaphore(%arg16 : memref<!tpu.dma_semaphore, #tpu.memory_space<semaphore_mem>>)
    %dma_wait3A_325 = arith.constant 0 : i32
    %dma_wait3A_326 = tpu.memref_slice %arg4[%add3A_293, %dma_wait3A_325] : memref<8192x1024xf32, #tpu.memory_space<hbm>> -> memref<16x1024xf32, #tpu.memory_space<hbm>>
    %dma_wait3A_327 = arith.constant 0 : i32
    %dma_wait3A_328 = tpu.memref_slice %arg4[%add3A_293, %dma_wait3A_327] : memref<8192x1024xf32, #tpu.memory_space<hbm>> -> memref<16x1024xf32, #tpu.memory_space<hbm>>
    tpu.wait_dma2 semaphore(%arg15 : memref<!tpu.dma_semaphore, #tpu.memory_space<semaphore_mem>>) src(%arg5 : memref<16x1024xf32, #tpu.memory_space<vmem>>) dst(%dma_wait3A_328 : memref<16x1024xf32, #tpu.memory_space<hbm>>)
    %add3A_329 = arith.constant 0 : i32
    %add3A_330 = arith.addi %add3A_329, %mul3A_2 : i32
    %add3A_331 = arith.constant 48 : i32
    %add3A_332 = arith.addi %add3A_330, %add3A_331 : i32
    %dma_start3A_333 = arith.constant 0 : i32
    %dma_start3A_334 = tpu.memref_slice %arg2[%add3A_332, %dma_start3A_333] : memref<8192x1024xf32, #tpu.memory_space<hbm>> -> memref<16x1024xf32, #tpu.memory_space<hbm>>
    %dma_start3A_335 = arith.constant 0 : i32
    %dma_start3A_336 = tpu.memref_slice %arg2[%add3A_332, %dma_start3A_335] : memref<8192x1024xf32, #tpu.memory_space<hbm>> -> memref<16x1024xf32, #tpu.memory_space<hbm>>
    tpu.enqueue_dma source(%dma_start3A_336 : memref<16x1024xf32, #tpu.memory_space<hbm>>) target(%arg5 : memref<16x1024xf32, #tpu.memory_space<vmem>>) target_semaphore(%arg10 : memref<!tpu.dma_semaphore, #tpu.memory_space<semaphore_mem>>)
    %add3A_337 = arith.constant 48 : i32
    %add3A_338 = arith.addi %mul3A_2, %add3A_337 : i32
    %dma_start3A_339 = arith.constant 0 : i32
    %dma_start3A_340 = tpu.memref_slice %arg3[%add3A_338, %dma_start3A_339] : memref<2048x1024xf32, #tpu.memory_space<hbm>> -> memref<16x1024xf32, #tpu.memory_space<hbm>>
    %dma_start3A_341 = arith.constant 0 : i32
    %dma_start3A_342 = tpu.memref_slice %arg3[%add3A_338, %dma_start3A_341] : memref<2048x1024xf32, #tpu.memory_space<hbm>> -> memref<16x1024xf32, #tpu.memory_space<hbm>>
    tpu.enqueue_dma source(%dma_start3A_342 : memref<16x1024xf32, #tpu.memory_space<hbm>>) target(%arg9 : memref<16x1024xf32, #tpu.memory_space<vmem>>) target_semaphore(%arg14 : memref<!tpu.dma_semaphore, #tpu.memory_space<semaphore_mem>>)
    %dma_wait3A_343 = arith.constant 0 : i32
    %dma_wait3A_344 = tpu.memref_slice %arg2[%add3A_305, %dma_wait3A_343] : memref<8192x1024xf32, #tpu.memory_space<hbm>> -> memref<16x1024xf32, #tpu.memory_space<hbm>>
    %dma_wait3A_345 = arith.constant 0 : i32
    %dma_wait3A_346 = tpu.memref_slice %arg2[%add3A_305, %dma_wait3A_345] : memref<8192x1024xf32, #tpu.memory_space<hbm>> -> memref<16x1024xf32, #tpu.memory_space<hbm>>
    tpu.wait_dma2 semaphore(%arg12 : memref<!tpu.dma_semaphore, #tpu.memory_space<semaphore_mem>>) src(%dma_wait3A_346 : memref<16x1024xf32, #tpu.memory_space<hbm>>) dst(%arg7 : memref<16x1024xf32, #tpu.memory_space<vmem>>)
    %parallel_loop3A_347 = arith.constant 0 : i32
    %parallel_loop3A_348 = arith.constant 1024 : i32
    %parallel_loop3A_349 = arith.constant 1 : i32
    scf.for %parallel_loop3A_470 = %parallel_loop3A_347 to %parallel_loop3A_348 step %parallel_loop3A_349  : i32 {
      %parallel_loop3A_471 = arith.constant 6 : i32
      %parallel_loop3A_472 = arith.shrsi %parallel_loop3A_470, %parallel_loop3A_471 : i32
      %parallel_loop3A_473 = arith.constant 63 : i32
      %parallel_loop3A_474 = arith.andi %parallel_loop3A_470, %parallel_loop3A_473 : i32
      %parallel_loop3A_475 = arith.constant 16 : i32
      %parallel_loop3A_476 = arith.muli %parallel_loop3A_474, %parallel_loop3A_475 : i32
      %parallel_loop3A_477 = arith.index_cast %parallel_loop3A_472 : i32 to index
      %parallel_loop3A_478 = arith.index_cast %parallel_loop3A_476 : i32 to index
      %parallel_loop3A_479 = tpu.vector_load %arg8[%parallel_loop3A_477, %parallel_loop3A_478] {strides = array<i32>} : memref<16x1024xf32, #tpu.memory_space<vmem>>, vector<1x16xf32>,
      %parallel_loop3A_480 = vector.shape_cast %parallel_loop3A_479 : vector<1x16xf32> to vector<16xf32>
      %parallel_loop3A_481 = arith.index_cast %parallel_loop3A_472 : i32 to index
      %parallel_loop3A_482 = arith.index_cast %parallel_loop3A_476 : i32 to index
      %parallel_loop3A_483 = tpu.vector_load %arg7[%parallel_loop3A_481, %parallel_loop3A_482] {strides = array<i32>} : memref<16x1024xf32, #tpu.memory_space<vmem>>, vector<1x16xf32>,
      %parallel_loop3A_484 = vector.shape_cast %parallel_loop3A_483 : vector<1x16xf32> to vector<16xf32>
      %parallel_loop3A_485 = vector.shape_cast %parallel_loop3A_480 : vector<16xf32> to vector<1x16xf32>
      tpu.vector_store %arg7[%parallel_loop3A_481, %parallel_loop3A_482], %parallel_loop3A_485 {add = true, strides = array<i32>} : memref<16x1024xf32, #tpu.memory_space<vmem>>, vector<1x16xf32>,
    } {sc.loop_unroll_factor = 8 : i64, sc.parallel_access}
    %add3A_350 = arith.constant 6144 : i32
    %add3A_351 = arith.addi %add3A_350, %mul3A_2 : i32
    %add3A_352 = arith.constant 32 : i32
    %add3A_353 = arith.addi %add3A_351, %add3A_352 : i32
    %dma_start3A_354 = arith.constant 0 : i32
    %dma_start3A_355 = tpu.memref_slice %arg4[%add3A_353, %dma_start3A_354] : memref<8192x1024xf32, #tpu.memory_space<hbm>> -> memref<16x1024xf32, #tpu.memory_space<hbm>>
    %dma_start3A_356 = arith.constant 0 : i32
    %dma_start3A_357 = tpu.memref_slice %arg4[%add3A_353, %dma_start3A_356] : memref<8192x1024xf32, #tpu.memory_space<hbm>> -> memref<16x1024xf32, #tpu.memory_space<hbm>>
    tpu.enqueue_dma source(%arg7 : memref<16x1024xf32, #tpu.memory_space<vmem>>) target(%dma_start3A_357 : memref<16x1024xf32, #tpu.memory_space<hbm>>) target_semaphore(%arg17 : memref<!tpu.dma_semaphore, #tpu.memory_space<semaphore_mem>>)
    %dma_wait3A_358 = arith.constant 0 : i32
    %dma_wait3A_359 = tpu.memref_slice %arg4[%add3A_320, %dma_wait3A_358] : memref<8192x1024xf32, #tpu.memory_space<hbm>> -> memref<16x1024xf32, #tpu.memory_space<hbm>>
    %dma_wait3A_360 = arith.constant 0 : i32
    %dma_wait3A_361 = tpu.memref_slice %arg4[%add3A_320, %dma_wait3A_360] : memref<8192x1024xf32, #tpu.memory_space<hbm>> -> memref<16x1024xf32, #tpu.memory_space<hbm>>
    tpu.wait_dma2 semaphore(%arg16 : memref<!tpu.dma_semaphore, #tpu.memory_space<semaphore_mem>>) src(%arg6 : memref<16x1024xf32, #tpu.memory_space<vmem>>) dst(%dma_wait3A_361 : memref<16x1024xf32, #tpu.memory_space<hbm>>)
    %add3A_362 = arith.constant 2048 : i32
    %add3A_363 = arith.addi %add3A_362, %mul3A_2 : i32
    %add3A_364 = arith.constant 48 : i32
    %add3A_365 = arith.addi %add3A_363, %add3A_364 : i32
    %dma_start3A_366 = arith.constant 0 : i32
    %dma_start3A_367 = tpu.memref_slice %arg2[%add3A_365, %dma_start3A_366] : memref<8192x1024xf32, #tpu.memory_space<hbm>> -> memref<16x1024xf32, #tpu.memory_space<hbm>>
    %dma_start3A_368 = arith.constant 0 : i32
    %dma_start3A_369 = tpu.memref_slice %arg2[%add3A_365, %dma_start3A_368] : memref<8192x1024xf32, #tpu.memory_space<hbm>> -> memref<16x1024xf32, #tpu.memory_space<hbm>>
    tpu.enqueue_dma source(%dma_start3A_369 : memref<16x1024xf32, #tpu.memory_space<hbm>>) target(%arg6 : memref<16x1024xf32, #tpu.memory_space<vmem>>) target_semaphore(%arg11 : memref<!tpu.dma_semaphore, #tpu.memory_space<semaphore_mem>>)
    %dma_wait3A_370 = arith.constant 0 : i32
    %dma_wait3A_371 = tpu.memref_slice %arg2[%add3A_332, %dma_wait3A_370] : memref<8192x1024xf32, #tpu.memory_space<hbm>> -> memref<16x1024xf32, #tpu.memory_space<hbm>>
    %dma_wait3A_372 = arith.constant 0 : i32
    %dma_wait3A_373 = tpu.memref_slice %arg2[%add3A_332, %dma_wait3A_372] : memref<8192x1024xf32, #tpu.memory_space<hbm>> -> memref<16x1024xf32, #tpu.memory_space<hbm>>
    tpu.wait_dma2 semaphore(%arg10 : memref<!tpu.dma_semaphore, #tpu.memory_space<semaphore_mem>>) src(%dma_wait3A_373 : memref<16x1024xf32, #tpu.memory_space<hbm>>) dst(%arg5 : memref<16x1024xf32, #tpu.memory_space<vmem>>)
    %dma_wait3A_374 = arith.constant 0 : i32
    %dma_wait3A_375 = tpu.memref_slice %arg3[%add3A_338, %dma_wait3A_374] : memref<2048x1024xf32, #tpu.memory_space<hbm>> -> memref<16x1024xf32, #tpu.memory_space<hbm>>
    %dma_wait3A_376 = arith.constant 0 : i32
    %dma_wait3A_377 = tpu.memref_slice %arg3[%add3A_338, %dma_wait3A_376] : memref<2048x1024xf32, #tpu.memory_space<hbm>> -> memref<16x1024xf32, #tpu.memory_space<hbm>>
    tpu.wait_dma2 semaphore(%arg14 : memref<!tpu.dma_semaphore, #tpu.memory_space<semaphore_mem>>) src(%dma_wait3A_377 : memref<16x1024xf32, #tpu.memory_space<hbm>>) dst(%arg9 : memref<16x1024xf32, #tpu.memory_space<vmem>>)
    %parallel_loop3A_378 = arith.constant 0 : i32
    %parallel_loop3A_379 = arith.constant 1024 : i32
    %parallel_loop3A_380 = arith.constant 1 : i32
    scf.for %parallel_loop3A_470 = %parallel_loop3A_378 to %parallel_loop3A_379 step %parallel_loop3A_380  : i32 {
      %parallel_loop3A_471 = arith.constant 6 : i32
      %parallel_loop3A_472 = arith.shrsi %parallel_loop3A_470, %parallel_loop3A_471 : i32
      %parallel_loop3A_473 = arith.constant 63 : i32
      %parallel_loop3A_474 = arith.andi %parallel_loop3A_470, %parallel_loop3A_473 : i32
      %parallel_loop3A_475 = arith.constant 16 : i32
      %parallel_loop3A_476 = arith.muli %parallel_loop3A_474, %parallel_loop3A_475 : i32
      %parallel_loop3A_477 = arith.index_cast %parallel_loop3A_472 : i32 to index
      %parallel_loop3A_478 = arith.index_cast %parallel_loop3A_476 : i32 to index
      %parallel_loop3A_479 = tpu.vector_load %arg9[%parallel_loop3A_477, %parallel_loop3A_478] {strides = array<i32>} : memref<16x1024xf32, #tpu.memory_space<vmem>>, vector<1x16xf32>,
      %parallel_loop3A_480 = vector.shape_cast %parallel_loop3A_479 : vector<1x16xf32> to vector<16xf32>
      %parallel_loop3A_481 = arith.index_cast %parallel_loop3A_472 : i32 to index
      %parallel_loop3A_482 = arith.index_cast %parallel_loop3A_476 : i32 to index
      %parallel_loop3A_483 = tpu.vector_load %arg5[%parallel_loop3A_481, %parallel_loop3A_482] {strides = array<i32>} : memref<16x1024xf32, #tpu.memory_space<vmem>>, vector<1x16xf32>,
      %parallel_loop3A_484 = vector.shape_cast %parallel_loop3A_483 : vector<1x16xf32> to vector<16xf32>
      %parallel_loop3A_485 = vector.shape_cast %parallel_loop3A_480 : vector<16xf32> to vector<1x16xf32>
      tpu.vector_store %arg5[%parallel_loop3A_481, %parallel_loop3A_482], %parallel_loop3A_485 {add = true, strides = array<i32>} : memref<16x1024xf32, #tpu.memory_space<vmem>>, vector<1x16xf32>,
    } {sc.loop_unroll_factor = 8 : i64, sc.parallel_access}
    %add3A_381 = arith.constant 0 : i32
    %add3A_382 = arith.addi %add3A_381, %mul3A_2 : i32
    %add3A_383 = arith.constant 48 : i32
    %add3A_384 = arith.addi %add3A_382, %add3A_383 : i32
    %dma_start3A_385 = arith.constant 0 : i32
    %dma_start3A_386 = tpu.memref_slice %arg4[%add3A_384, %dma_start3A_385] : memref<8192x1024xf32, #tpu.memory_space<hbm>> -> memref<16x1024xf32, #tpu.memory_space<hbm>>
    %dma_start3A_387 = arith.constant 0 : i32
    %dma_start3A_388 = tpu.memref_slice %arg4[%add3A_384, %dma_start3A_387] : memref<8192x1024xf32, #tpu.memory_space<hbm>> -> memref<16x1024xf32, #tpu.memory_space<hbm>>
    tpu.enqueue_dma source(%arg5 : memref<16x1024xf32, #tpu.memory_space<vmem>>) target(%dma_start3A_388 : memref<16x1024xf32, #tpu.memory_space<hbm>>) target_semaphore(%arg15 : memref<!tpu.dma_semaphore, #tpu.memory_space<semaphore_mem>>)
    %dma_wait3A_389 = arith.constant 0 : i32
    %dma_wait3A_390 = tpu.memref_slice %arg4[%add3A_353, %dma_wait3A_389] : memref<8192x1024xf32, #tpu.memory_space<hbm>> -> memref<16x1024xf32, #tpu.memory_space<hbm>>
    %dma_wait3A_391 = arith.constant 0 : i32
    %dma_wait3A_392 = tpu.memref_slice %arg4[%add3A_353, %dma_wait3A_391] : memref<8192x1024xf32, #tpu.memory_space<hbm>> -> memref<16x1024xf32, #tpu.memory_space<hbm>>
    tpu.wait_dma2 semaphore(%arg17 : memref<!tpu.dma_semaphore, #tpu.memory_space<semaphore_mem>>) src(%arg7 : memref<16x1024xf32, #tpu.memory_space<vmem>>) dst(%dma_wait3A_392 : memref<16x1024xf32, #tpu.memory_space<hbm>>)
    %add3A_393 = arith.constant 4096 : i32
    %add3A_394 = arith.addi %add3A_393, %mul3A_2 : i32
    %add3A_395 = arith.constant 48 : i32
    %add3A_396 = arith.addi %add3A_394, %add3A_395 : i32
    %dma_start3A_397 = arith.constant 0 : i32
    %dma_start3A_398 = tpu.memref_slice %arg2[%add3A_396, %dma_start3A_397] : memref<8192x1024xf32, #tpu.memory_space<hbm>> -> memref<16x1024xf32, #tpu.memory_space<hbm>>
    %dma_start3A_399 = arith.constant 0 : i32
    %dma_start3A_400 = tpu.memref_slice %arg2[%add3A_396, %dma_start3A_399] : memref<8192x1024xf32, #tpu.memory_space<hbm>> -> memref<16x1024xf32, #tpu.memory_space<hbm>>
    tpu.enqueue_dma source(%dma_start3A_400 : memref<16x1024xf32, #tpu.memory_space<hbm>>) target(%arg7 : memref<16x1024xf32, #tpu.memory_space<vmem>>) target_semaphore(%arg12 : memref<!tpu.dma_semaphore, #tpu.memory_space<semaphore_mem>>)
    %dma_wait3A_401 = arith.constant 0 : i32
    %dma_wait3A_402 = tpu.memref_slice %arg2[%add3A_365, %dma_wait3A_401] : memref<8192x1024xf32, #tpu.memory_space<hbm>> -> memref<16x1024xf32, #tpu.memory_space<hbm>>
    %dma_wait3A_403 = arith.constant 0 : i32
    %dma_wait3A_404 = tpu.memref_slice %arg2[%add3A_365, %dma_wait3A_403] : memref<8192x1024xf32, #tpu.memory_space<hbm>> -> memref<16x1024xf32, #tpu.memory_space<hbm>>
    tpu.wait_dma2 semaphore(%arg11 : memref<!tpu.dma_semaphore, #tpu.memory_space<semaphore_mem>>) src(%dma_wait3A_404 : memref<16x1024xf32, #tpu.memory_space<hbm>>) dst(%arg6 : memref<16x1024xf32, #tpu.memory_space<vmem>>)
    %parallel_loop3A_405 = arith.constant 0 : i32
    %parallel_loop3A_406 = arith.constant 1024 : i32
    %parallel_loop3A_407 = arith.constant 1 : i32
    scf.for %parallel_loop3A_470 = %parallel_loop3A_405 to %parallel_loop3A_406 step %parallel_loop3A_407  : i32 {
      %parallel_loop3A_471 = arith.constant 6 : i32
      %parallel_loop3A_472 = arith.shrsi %parallel_loop3A_470, %parallel_loop3A_471 : i32
      %parallel_loop3A_473 = arith.constant 63 : i32
      %parallel_loop3A_474 = arith.andi %parallel_loop3A_470, %parallel_loop3A_473 : i32
      %parallel_loop3A_475 = arith.constant 16 : i32
      %parallel_loop3A_476 = arith.muli %parallel_loop3A_474, %parallel_loop3A_475 : i32
      %parallel_loop3A_477 = arith.index_cast %parallel_loop3A_472 : i32 to index
      %parallel_loop3A_478 = arith.index_cast %parallel_loop3A_476 : i32 to index
      %parallel_loop3A_479 = tpu.vector_load %arg9[%parallel_loop3A_477, %parallel_loop3A_478] {strides = array<i32>} : memref<16x1024xf32, #tpu.memory_space<vmem>>, vector<1x16xf32>,
      %parallel_loop3A_480 = vector.shape_cast %parallel_loop3A_479 : vector<1x16xf32> to vector<16xf32>
      %parallel_loop3A_481 = arith.index_cast %parallel_loop3A_472 : i32 to index
      %parallel_loop3A_482 = arith.index_cast %parallel_loop3A_476 : i32 to index
      %parallel_loop3A_483 = tpu.vector_load %arg6[%parallel_loop3A_481, %parallel_loop3A_482] {strides = array<i32>} : memref<16x1024xf32, #tpu.memory_space<vmem>>, vector<1x16xf32>,
      %parallel_loop3A_484 = vector.shape_cast %parallel_loop3A_483 : vector<1x16xf32> to vector<16xf32>
      %parallel_loop3A_485 = vector.shape_cast %parallel_loop3A_480 : vector<16xf32> to vector<1x16xf32>
      tpu.vector_store %arg6[%parallel_loop3A_481, %parallel_loop3A_482], %parallel_loop3A_485 {add = true, strides = array<i32>} : memref<16x1024xf32, #tpu.memory_space<vmem>>, vector<1x16xf32>,
    } {sc.loop_unroll_factor = 8 : i64, sc.parallel_access}
    %add3A_408 = arith.constant 2048 : i32
    %add3A_409 = arith.addi %add3A_408, %mul3A_2 : i32
    %add3A_410 = arith.constant 48 : i32
    %add3A_411 = arith.addi %add3A_409, %add3A_410 : i32
    %dma_start3A_412 = arith.constant 0 : i32
    %dma_start3A_413 = tpu.memref_slice %arg4[%add3A_411, %dma_start3A_412] : memref<8192x1024xf32, #tpu.memory_space<hbm>> -> memref<16x1024xf32, #tpu.memory_space<hbm>>
    %dma_start3A_414 = arith.constant 0 : i32
    %dma_start3A_415 = tpu.memref_slice %arg4[%add3A_411, %dma_start3A_414] : memref<8192x1024xf32, #tpu.memory_space<hbm>> -> memref<16x1024xf32, #tpu.memory_space<hbm>>
    tpu.enqueue_dma source(%arg6 : memref<16x1024xf32, #tpu.memory_space<vmem>>) target(%dma_start3A_415 : memref<16x1024xf32, #tpu.memory_space<hbm>>) target_semaphore(%arg16 : memref<!tpu.dma_semaphore, #tpu.memory_space<semaphore_mem>>)
    %dma_wait3A_416 = arith.constant 0 : i32
    %dma_wait3A_417 = tpu.memref_slice %arg4[%add3A_384, %dma_wait3A_416] : memref<8192x1024xf32, #tpu.memory_space<hbm>> -> memref<16x1024xf32, #tpu.memory_space<hbm>>
    %dma_wait3A_418 = arith.constant 0 : i32
    %dma_wait3A_419 = tpu.memref_slice %arg4[%add3A_384, %dma_wait3A_418] : memref<8192x1024xf32, #tpu.memory_space<hbm>> -> memref<16x1024xf32, #tpu.memory_space<hbm>>
    tpu.wait_dma2 semaphore(%arg15 : memref<!tpu.dma_semaphore, #tpu.memory_space<semaphore_mem>>) src(%arg5 : memref<16x1024xf32, #tpu.memory_space<vmem>>) dst(%dma_wait3A_419 : memref<16x1024xf32, #tpu.memory_space<hbm>>)
    %add3A_420 = arith.constant 6144 : i32
    %add3A_421 = arith.addi %add3A_420, %mul3A_2 : i32
    %add3A_422 = arith.constant 48 : i32
    %add3A_423 = arith.addi %add3A_421, %add3A_422 : i32
    %dma_start3A_424 = arith.constant 0 : i32
    %dma_start3A_425 = tpu.memref_slice %arg2[%add3A_423, %dma_start3A_424] : memref<8192x1024xf32, #tpu.memory_space<hbm>> -> memref<16x1024xf32, #tpu.memory_space<hbm>>
    %dma_start3A_426 = arith.constant 0 : i32
    %dma_start3A_427 = tpu.memref_slice %arg2[%add3A_423, %dma_start3A_426] : memref<8192x1024xf32, #tpu.memory_space<hbm>> -> memref<16x1024xf32, #tpu.memory_space<hbm>>
    tpu.enqueue_dma source(%dma_start3A_427 : memref<16x1024xf32, #tpu.memory_space<hbm>>) target(%arg5 : memref<16x1024xf32, #tpu.memory_space<vmem>>) target_semaphore(%arg10 : memref<!tpu.dma_semaphore, #tpu.memory_space<semaphore_mem>>)
    %dma_wait3A_428 = arith.constant 0 : i32
    %dma_wait3A_429 = tpu.memref_slice %arg2[%add3A_396, %dma_wait3A_428] : memref<8192x1024xf32, #tpu.memory_space<hbm>> -> memref<16x1024xf32, #tpu.memory_space<hbm>>
    %dma_wait3A_430 = arith.constant 0 : i32
    %dma_wait3A_431 = tpu.memref_slice %arg2[%add3A_396, %dma_wait3A_430] : memref<8192x1024xf32, #tpu.memory_space<hbm>> -> memref<16x1024xf32, #tpu.memory_space<hbm>>
    tpu.wait_dma2 semaphore(%arg12 : memref<!tpu.dma_semaphore, #tpu.memory_space<semaphore_mem>>) src(%dma_wait3A_431 : memref<16x1024xf32, #tpu.memory_space<hbm>>) dst(%arg7 : memref<16x1024xf32, #tpu.memory_space<vmem>>)
    %parallel_loop3A_432 = arith.constant 0 : i32
    %parallel_loop3A_433 = arith.constant 1024 : i32
    %parallel_loop3A_434 = arith.constant 1 : i32
    scf.for %parallel_loop3A_470 = %parallel_loop3A_432 to %parallel_loop3A_433 step %parallel_loop3A_434  : i32 {
      %parallel_loop3A_471 = arith.constant 6 : i32
      %parallel_loop3A_472 = arith.shrsi %parallel_loop3A_470, %parallel_loop3A_471 : i32
      %parallel_loop3A_473 = arith.constant 63 : i32
      %parallel_loop3A_474 = arith.andi %parallel_loop3A_470, %parallel_loop3A_473 : i32
      %parallel_loop3A_475 = arith.constant 16 : i32
      %parallel_loop3A_476 = arith.muli %parallel_loop3A_474, %parallel_loop3A_475 : i32
      %parallel_loop3A_477 = arith.index_cast %parallel_loop3A_472 : i32 to index
      %parallel_loop3A_478 = arith.index_cast %parallel_loop3A_476 : i32 to index
      %parallel_loop3A_479 = tpu.vector_load %arg9[%parallel_loop3A_477, %parallel_loop3A_478] {strides = array<i32>} : memref<16x1024xf32, #tpu.memory_space<vmem>>, vector<1x16xf32>,
      %parallel_loop3A_480 = vector.shape_cast %parallel_loop3A_479 : vector<1x16xf32> to vector<16xf32>
      %parallel_loop3A_481 = arith.index_cast %parallel_loop3A_472 : i32 to index
      %parallel_loop3A_482 = arith.index_cast %parallel_loop3A_476 : i32 to index
      %parallel_loop3A_483 = tpu.vector_load %arg7[%parallel_loop3A_481, %parallel_loop3A_482] {strides = array<i32>} : memref<16x1024xf32, #tpu.memory_space<vmem>>, vector<1x16xf32>,
      %parallel_loop3A_484 = vector.shape_cast %parallel_loop3A_483 : vector<1x16xf32> to vector<16xf32>
      %parallel_loop3A_485 = vector.shape_cast %parallel_loop3A_480 : vector<16xf32> to vector<1x16xf32>
      tpu.vector_store %arg7[%parallel_loop3A_481, %parallel_loop3A_482], %parallel_loop3A_485 {add = true, strides = array<i32>} : memref<16x1024xf32, #tpu.memory_space<vmem>>, vector<1x16xf32>,
    } {sc.loop_unroll_factor = 8 : i64, sc.parallel_access}
    %add3A_435 = arith.constant 4096 : i32
    %add3A_436 = arith.addi %add3A_435, %mul3A_2 : i32
    %add3A_437 = arith.constant 48 : i32
    %add3A_438 = arith.addi %add3A_436, %add3A_437 : i32
    %dma_start3A_439 = arith.constant 0 : i32
    %dma_start3A_440 = tpu.memref_slice %arg4[%add3A_438, %dma_start3A_439] : memref<8192x1024xf32, #tpu.memory_space<hbm>> -> memref<16x1024xf32, #tpu.memory_space<hbm>>
    %dma_start3A_441 = arith.constant 0 : i32
    %dma_start3A_442 = tpu.memref_slice %arg4[%add3A_438, %dma_start3A_441] : memref<8192x1024xf32, #tpu.memory_space<hbm>> -> memref<16x1024xf32, #tpu.memory_space<hbm>>
    tpu.enqueue_dma source(%arg7 : memref<16x1024xf32, #tpu.memory_space<vmem>>) target(%dma_start3A_442 : memref<16x1024xf32, #tpu.memory_space<hbm>>) target_semaphore(%arg17 : memref<!tpu.dma_semaphore, #tpu.memory_space<semaphore_mem>>)
    %dma_wait3A_443 = arith.constant 0 : i32
    %dma_wait3A_444 = tpu.memref_slice %arg2[%add3A_423, %dma_wait3A_443] : memref<8192x1024xf32, #tpu.memory_space<hbm>> -> memref<16x1024xf32, #tpu.memory_space<hbm>>
    %dma_wait3A_445 = arith.constant 0 : i32
    %dma_wait3A_446 = tpu.memref_slice %arg2[%add3A_423, %dma_wait3A_445] : memref<8192x1024xf32, #tpu.memory_space<hbm>> -> memref<16x1024xf32, #tpu.memory_space<hbm>>
    tpu.wait_dma2 semaphore(%arg10 : memref<!tpu.dma_semaphore, #tpu.memory_space<semaphore_mem>>) src(%dma_wait3A_446 : memref<16x1024xf32, #tpu.memory_space<hbm>>) dst(%arg5 : memref<16x1024xf32, #tpu.memory_space<vmem>>)
    %parallel_loop3A_447 = arith.constant 0 : i32
    %parallel_loop3A_448 = arith.constant 1024 : i32
    %parallel_loop3A_449 = arith.constant 1 : i32
    scf.for %parallel_loop3A_470 = %parallel_loop3A_447 to %parallel_loop3A_448 step %parallel_loop3A_449  : i32 {
      %parallel_loop3A_471 = arith.constant 6 : i32
      %parallel_loop3A_472 = arith.shrsi %parallel_loop3A_470, %parallel_loop3A_471 : i32
      %parallel_loop3A_473 = arith.constant 63 : i32
      %parallel_loop3A_474 = arith.andi %parallel_loop3A_470, %parallel_loop3A_473 : i32
      %parallel_loop3A_475 = arith.constant 16 : i32
      %parallel_loop3A_476 = arith.muli %parallel_loop3A_474, %parallel_loop3A_475 : i32
      %parallel_loop3A_477 = arith.index_cast %parallel_loop3A_472 : i32 to index
      %parallel_loop3A_478 = arith.index_cast %parallel_loop3A_476 : i32 to index
      %parallel_loop3A_479 = tpu.vector_load %arg9[%parallel_loop3A_477, %parallel_loop3A_478] {strides = array<i32>} : memref<16x1024xf32, #tpu.memory_space<vmem>>, vector<1x16xf32>,
      %parallel_loop3A_480 = vector.shape_cast %parallel_loop3A_479 : vector<1x16xf32> to vector<16xf32>
      %parallel_loop3A_481 = arith.index_cast %parallel_loop3A_472 : i32 to index
      %parallel_loop3A_482 = arith.index_cast %parallel_loop3A_476 : i32 to index
      %parallel_loop3A_483 = tpu.vector_load %arg5[%parallel_loop3A_481, %parallel_loop3A_482] {strides = array<i32>} : memref<16x1024xf32, #tpu.memory_space<vmem>>, vector<1x16xf32>,
      %parallel_loop3A_484 = vector.shape_cast %parallel_loop3A_483 : vector<1x16xf32> to vector<16xf32>
      %parallel_loop3A_485 = vector.shape_cast %parallel_loop3A_480 : vector<16xf32> to vector<1x16xf32>
      tpu.vector_store %arg5[%parallel_loop3A_481, %parallel_loop3A_482], %parallel_loop3A_485 {add = true, strides = array<i32>} : memref<16x1024xf32, #tpu.memory_space<vmem>>, vector<1x16xf32>,
    } {sc.loop_unroll_factor = 8 : i64, sc.parallel_access}
    %add3A_450 = arith.constant 6144 : i32
    %add3A_451 = arith.addi %add3A_450, %mul3A_2 : i32
    %add3A_452 = arith.constant 48 : i32
    %add3A_453 = arith.addi %add3A_451, %add3A_452 : i32
    %dma_start3A_454 = arith.constant 0 : i32
    %dma_start3A_455 = tpu.memref_slice %arg4[%add3A_453, %dma_start3A_454] : memref<8192x1024xf32, #tpu.memory_space<hbm>> -> memref<16x1024xf32, #tpu.memory_space<hbm>>
    %dma_start3A_456 = arith.constant 0 : i32
    %dma_start3A_457 = tpu.memref_slice %arg4[%add3A_453, %dma_start3A_456] : memref<8192x1024xf32, #tpu.memory_space<hbm>> -> memref<16x1024xf32, #tpu.memory_space<hbm>>
    tpu.enqueue_dma source(%arg5 : memref<16x1024xf32, #tpu.memory_space<vmem>>) target(%dma_start3A_457 : memref<16x1024xf32, #tpu.memory_space<hbm>>) target_semaphore(%arg15 : memref<!tpu.dma_semaphore, #tpu.memory_space<semaphore_mem>>)
    %dma_wait3A_458 = arith.constant 0 : i32
    %dma_wait3A_459 = tpu.memref_slice %arg4[%add3A_453, %dma_wait3A_458] : memref<8192x1024xf32, #tpu.memory_space<hbm>> -> memref<16x1024xf32, #tpu.memory_space<hbm>>
    %dma_wait3A_460 = arith.constant 0 : i32
    %dma_wait3A_461 = tpu.memref_slice %arg4[%add3A_453, %dma_wait3A_460] : memref<8192x1024xf32, #tpu.memory_space<hbm>> -> memref<16x1024xf32, #tpu.memory_space<hbm>>
    tpu.wait_dma2 semaphore(%arg15 : memref<!tpu.dma_semaphore, #tpu.memory_space<semaphore_mem>>) src(%arg5 : memref<16x1024xf32, #tpu.memory_space<vmem>>) dst(%dma_wait3A_461 : memref<16x1024xf32, #tpu.memory_space<hbm>>)
    %dma_wait3A_462 = arith.constant 0 : i32
    %dma_wait3A_463 = tpu.memref_slice %arg4[%add3A_438, %dma_wait3A_462] : memref<8192x1024xf32, #tpu.memory_space<hbm>> -> memref<16x1024xf32, #tpu.memory_space<hbm>>
    %dma_wait3A_464 = arith.constant 0 : i32
    %dma_wait3A_465 = tpu.memref_slice %arg4[%add3A_438, %dma_wait3A_464] : memref<8192x1024xf32, #tpu.memory_space<hbm>> -> memref<16x1024xf32, #tpu.memory_space<hbm>>
    tpu.wait_dma2 semaphore(%arg17 : memref<!tpu.dma_semaphore, #tpu.memory_space<semaphore_mem>>) src(%arg7 : memref<16x1024xf32, #tpu.memory_space<vmem>>) dst(%dma_wait3A_465 : memref<16x1024xf32, #tpu.memory_space<hbm>>)
    %dma_wait3A_466 = arith.constant 0 : i32
    %dma_wait3A_467 = tpu.memref_slice %arg4[%add3A_411, %dma_wait3A_466] : memref<8192x1024xf32, #tpu.memory_space<hbm>> -> memref<16x1024xf32, #tpu.memory_space<hbm>>
    %dma_wait3A_468 = arith.constant 0 : i32
    %dma_wait3A_469 = tpu.memref_slice %arg4[%add3A_411, %dma_wait3A_468] : memref<8192x1024xf32, #tpu.memory_space<hbm>> -> memref<16x1024xf32, #tpu.memory_space<hbm>>
    tpu.wait_dma2 semaphore(%arg16 : memref<!tpu.dma_semaphore, #tpu.memory_space<semaphore_mem>>) src(%arg6 : memref<16x1024xf32, #tpu.memory_space<vmem>>) dst(%dma_wait3A_469 : memref<16x1024xf32, #tpu.memory_space<hbm>>)
    return
  }
}

</mosaic_0001>

<sc_bundles>
// kernel: kernel.3.cloned.1.call-start
scs
__scs_entry_jumppad:
0x0: {  	(pc) =	sbr.rel $0x88, $3  }
0x1: {  	(tag) =	ssettag $0x0;
	lr =	simm.s32 $0x1  }
0x2: {  	[smem:$0x3F9F] =	sst lr;
	_ =	strace $0xD0000000  }
0x3: {  	_ = 	snop  }
0x4: {  	_ = 	snop  }
0x5: {  	_ = 	snop  }
0x6: {  	_ = 	snop  }
0x7: {  	_ = 	snop  }
__scs_overlays_trampoline_lowered:
0x8: {  	[smem:$0x3FAE] =	sst s0  }
0x9: {  	[smem:$0x3FAF] =	sst s1  }
0xa: {  	[smem:$0x3FB0] =	sst s2  }
0xb: {  	[smem:$0x3FB1] =	sst s3  }
0xc: {  	[smem:$0x3FB2] =	sst s4  }
0xd: {  	[smem:$0x3FB3] =	sst s5  }
0xe: {  	[smem:$0x3FB4] =	sst s6  }
0xf: {  	[smem:$0x3FB5] =	sst s7  }
0x10: {  	[smem:$0x3FB6] =	sst s8  }
0x11: {  	[smem:$0x3FB7] =	sst s9;
	s0 =	simm.s32 @!p0 $0x0  }
0x12: {  	s1 =	sld [smem:$0x3F9D];
	s0 =	simm.s32 @p0 $0x1  }
0x13: {  	[smem:$0x3FB8] =	sst s0;
	s0 =	simm.s32 @!p1 $0x0  }
0x14: {  	s2 =	sld [smem:$0x3F9C];
	s0 =	simm.s32 @p1 $0x1  }
0x15: {  	[smem:$0x3FB9] =	sst s0;
	s0 =	simm.s32 @!p2 $0x0  }
0x16: {  	s3 =	sld [smem:$0x3FDB];
	s0 =	simm.s32 @p2 $0x1  }
0x17: {  	s4 =	simm.s32 $0x1BF5;
	[smem:$0x3FBB] =	sst s0  }
0x18: {  	s0 =	sld [smem:$0x3F9E];
	_ =	swait.ge [sflag:s4], $0x0  }
0x19: {  	s7 =	sld [smem:$0x3F9F]  }
0x1a: {  	s8 =	sadd.s32 $0xFFFFE003, lr  }
0x1b: {  	s9 =	sadd.s32 $0xFFFFFEF7, lr;
	s5 =	simm.s32 $0xFFFFFFFF;
	p2 =	slt.u32 s8, $0xFFFFF086  }
0x1c: {  	p1 =	slt.u32 s9, $0xF7A;
	s5 =	simm.s32 @!p2 $0x0  }
0x1d: {  	s5 =	simm.s32 @p1 $0x1;
	p0 =	seq.s32 s7, s2  }
0x1e: {  	s7 =	smul.u32 @!p0 $0xF7A, s2;
	p2 =	seq.s32 @!p0 s5, $0x0  }
0x1f: {  	s9 =	smul.u32 $0xF7A, s1;
	s8 =	simm.s32 @!p0 $0x1BF5;
	p2 =	por !p2, p0  }
0x20: {  	[sflag:s8] =	ssyncset.s32 @!p0 $0xFFFFF086;
	s6 =	sadd.s32 @!p0 s3, s7;
	s7 =	simm.s32 @!p0 $0x108  }
0x21: {  	s3 =	sadd.s32 s3, s9;
	s6 =	sadd.s32 @!p0 $0x88, s6;
	s7 =	simm.s32 @p2 $0x1082  }
0x22: {  	[simem:s7], [sflag:s8] =	dma.local @!p0 [hbm:s6], $0xF7A  }
0x23: {  	s9 =	sor.u32 $0xD0000000, s2;
	s6 =	simm.s32 $0x108;
	_ =	swait.ge @!p0 [sflag:s8], $0x0  }
0x24: {  	s3 =	sadd.s32 $0x88, s3;
	s6 =	simm.s32 @!p1 $0x1082;
	[sflag:s4] =	ssyncset.s32 $0xFFFFF086  }
0x25: {  	[simem:s6], [sflag:s4] =	dma.local [hbm:s3], $0xF7A  }
0x26: {  	[smem:$0x3F9F] =	sst s1;
	(tag) =	ssettag s2;
	_ =	strace s9  }
0x27: {  	s1 =	sld [smem:$0x3FAF]  }
0x28: {  	s2 =	sld [smem:$0x3FB0]  }
0x29: {  	s4 =	sld [smem:$0x3FB2]  }
0x2a: {  	p0 =	seq.s32 s5, $0x0;
	s5 =	sld [smem:$0x3FB3]  }
0x2b: {  	s6 =	sld [smem:$0x3FB4]  }
0x2c: {  	s7 =	sld [smem:$0x3FB5]  }
0x2d: {  	s3 =	simm.s32 $0x108;
	s8 =	sld [smem:$0x3FB6]  }
0x2e: {  	s3 =	simm.s32 @!p0 $0x1082;
	s9 =	sld [smem:$0x3FB7]  }
0x2f: {  	lr =	sadd.s32 s0, s3;
	s0 =	sld [smem:$0x3FAE]  }
0x30: {  	s3 =	sld [smem:$0x3FB1]  }
0x31: {  	[smem:$0x3FBA] =	sst s10  }
0x32: {  	s10 =	sld [smem:$0x3FB8];
	_ =	sdelay $0x3  }
0x33: {  	p0 =	seq.s32 s10, $0x1;
	s10 =	sld [smem:$0x3FBA];
	_ =	sdelay $0x3  }
0x34: {  	[smem:$0x3FBA] =	sst s10  }
0x35: {  	s10 =	sld [smem:$0x3FB9];
	_ =	sdelay $0x3  }
0x36: {  	p1 =	seq.s32 s10, $0x1;
	s10 =	sld [smem:$0x3FBA];
	_ =	sdelay $0x3  }
0x37: {  	[smem:$0x3FBA] =	sst s10  }
0x38: {  	s10 =	sld [smem:$0x3FBB]  }
0x39: {  	_ = 	snop;
	(pc) =	sbr.ind lr, $3  }
0x3a: {  	_ = 	snop  }
0x3b: {  	_ = 	snop  }
0x3c: {  	p2 =	seq.s32 s10, $0x1;
	s10 =	sld [smem:$0x3FBA]  }
0x3d: {  	_ =	shalt  }
0x3e: {  	_ =	shalt  }
0x3f: {  	_ =	shalt  }
0x40: {  	_ =	shalt  }
0x41: {  	_ =	shalt  }
0x42: {  	_ =	shalt  }
0x43: {  	_ =	shalt  }
0x44: {  	_ =	shalt  }
0x45: {  	_ =	shalt  }
0x46: {  	_ =	shalt  }
0x47: {  	_ =	shalt  }
0x48: {  	_ =	shalt  }
0x49: {  	_ =	shalt  }
0x4a: {  	_ =	shalt  }
0x4b: {  	_ =	shalt  }
0x4c: {  	_ =	shalt  }
0x4d: {  	_ =	shalt  }
0x4e: {  	_ =	shalt  }
0x4f: {  	_ =	shalt  }
0x50: {  	_ =	shalt  }
0x51: {  	_ =	shalt  }
0x52: {  	_ =	shalt  }
0x53: {  	_ =	shalt  }
0x54: {  	_ =	shalt  }
0x55: {  	_ =	shalt  }
0x56: {  	_ =	shalt  }
0x57: {  	_ =	shalt  }
0x58: {  	_ =	shalt  }
0x59: {  	_ =	shalt  }
0x5a: {  	_ =	shalt  }
0x5b: {  	_ =	shalt  }
0x5c: {  	_ =	shalt  }
0x5d: {  	_ =	shalt  }
0x5e: {  	_ =	shalt  }
0x5f: {  	_ =	shalt  }
0x60: {  	_ =	shalt  }
0x61: {  	_ =	shalt  }
0x62: {  	_ =	shalt  }
0x63: {  	_ =	shalt  }
0x64: {  	_ =	shalt  }
0x65: {  	_ =	shalt  }
0x66: {  	_ =	shalt  }
0x67: {  	_ =	shalt  }
0x68: {  	_ =	shalt  }
0x69: {  	_ =	shalt  }
0x6a: {  	_ =	shalt  }
0x6b: {  	_ =	shalt  }
0x6c: {  	_ =	shalt  }
0x6d: {  	_ =	shalt  }
0x6e: {  	_ =	shalt  }
0x6f: {  	_ =	shalt  }
0x70: {  	_ =	shalt  }
0x71: {  	_ =	shalt  }
0x72: {  	_ =	shalt  }
0x73: {  	_ =	shalt  }
0x74: {  	_ =	shalt  }
0x75: {  	_ =	shalt  }
0x76: {  	_ =	shalt  }
0x77: {  	_ =	shalt  }
0x78: {  	_ =	shalt  }
0x79: {  	_ =	shalt  }
0x7a: {  	_ =	shalt  }
0x7b: {  	_ =	shalt  }
0x7c: {  	_ =	shalt  }
0x7d: {  	_ =	shalt  }
0x7e: {  	_ =	shalt  }
0x7f: {  	_ =	shalt  }
0x80: {  	_ =	shalt  }
0x81: {  	_ =	shalt  }
0x82: {  	_ =	shalt  }
0x83: {  	_ =	shalt  }
0x84: {  	_ =	shalt  }
0x85: {  	_ =	shalt  }
0x86: {  	_ =	shalt  }
0x87: {  	_ =	shalt  }
.Lfunc_end0:
.L_simem_size_0:
called_computation_lowered:
.L_overlay_start_0:
0x88: {  	s2 =	sld [smem:$0x3FD9]  }
0x89: {  	s3 =	sld [smem:$0x3FFE];
	_ =	sdelay $0x1  }
0x8a: {  	s1 =	srdreg.scid  }
0x8b: {  	s0 =	sand.u32 $0x1, s1  }
0x8c: {  	s18 =	sshll.u32 s0, $0xA;
	s2 =	sadd.s32 s3, s2  }
0x8d: {  	s2 =	sadd.s32 s2, s18  }
0x8e: {  	[smem:$0x3FC6] =	sst s2  }
0x8f: {  	_ = 	snop  }
0x90: {  	s2 =	sld [smem:$0x3FC9]  }
0x91: {  	s19 =	sld [smem:$0x3FC8]  }
0x92: {  	s4 =	sld [smem:$0x3FD0];
	(tm) =	ssettm $0x1  }
0x93: {  	s5 =	sld [smem:$0x3FFB];
	_ =	sdelay $0x3  }
0x94: {  	_ =	strace s5  }
0x95: {  	s5 =	sld [smem:$0x3FFC];
	_ =	sdelay $0x3  }
0x96: {  	_ =	strace s5  }
0x97: {  	s5 =	sld [smem:$0x3FFD];
	_ =	sdelay $0x3  }
0x98: {  	_ =	strace s5  }
0x99: {  	_ =	strace $0x8FFFFFFF  }
0x9a: {  	s20 =	sld [smem:$0x3FDB];
	_ =	sdelay $0x1  }
0x9b: {  	s6 =	simm.s32 $_scs_section_size  }
0x9c: {  	s7 =	simm.s32 $_size__tile_overlayer_lowered;
	s8 =	simm.s32 $_tile_overlayer_lowered  }
0x9d: {  	s23 =	simm.s32 $0x1BFF;
	s22 =	sshll.u32 s8, $0x1;
	s5 =	sadd.s32 s6, s20  }
0x9e: {  	s9 =	simm.s32 $0x0;
	s21 =	sshll.u32 s7, $0x1;
	s7 =	sadd.s32 s22, s5  }
0x9f: {  	[timem:s9], [sflag:s23] =	dma.local [hbm:s7], s21  }
0xa0: {  	_ =	swait.ge [sflag:s23], s21  }
0xa1: {  	s6 =	ssub.s32 $0x0, s21;
	[sflag:s23] =	ssyncset.done $0x0  }
0xa2: {  	[sflag:s23] =	ssyncadd.s32 s6;
	_ =	sdelay $0x1  }
0xa3: {  	s24 =	simm.s32 $0x1B8B  }
0xa4: {  	_ =	swait.ge [sflag:s24], $0x1  }
0xa5: {  	[sflag:s24] =	ssyncset.done $0x0  }
0xa6: {  	s25 =	simm.s32 $0x1B8E;
	[sflag:s24] =	ssyncadd.s32 $0xFFFFFFFF  }
0xa7: {  	s26 =	simm.s32 $execute0_lowered;
	[smem:$0x3FD2] =	sst s25  }
0xa8: {  	s6 =	sshll.u32 s26, $0x1;
	_ =	strace $0x80000046;
	[dreg:$0x1] =	wrdreg $0xFFFFFFFF  }
0xa9: {  	s28 =	simm.s32 $_size_execute0_lowered;
	s5 =	sadd.s32 s5, s6;
	[dreg:$0x0] =	wrdreg $0x0  }
0xaa: {  	s6 =	sshll.u32 s28, $0x1;
	[dreg:$0x2] =	wrdreg s5  }
0xab: {  	[dreg:$0x3] =	wrdreg s6  }
0xac: {  	[dreg:$0x4] =	wrdreg $0xC0  }
0xad: {  	_ =	task [dreg:s9], $0x5FFFF  }
0xae: {  	[dreg:$0x1] =	wrdreg $0xFFFFFFFF  }
0xaf: {  	[dreg:$0x0] =	wrdreg $0x60  }
0xb0: {  	[dreg:$0x2] =	wrdreg s2  }
0xb1: {  	[dreg:$0x3] =	wrdreg s19  }
0xb2: {  	[dreg:$0x4] =	wrdreg s4  }
0xb3: {  	[dreg:$0x5] =	wrdreg $0x9  }
0xb4: {  	_ =	task.clear_ibuf [dreg:s9], $0x6FFFF;
	_ =	strace $0x90000046  }
0xb5: {  	s29 =	simm.s32 $0x9;
	_ =	strace $0x80000048  }
0xb6: {  	_ =	swait.ge [sflag:s29], $0x1  }
0xb7: {  	[sflag:s29] =	ssyncadd.s32 $0xFFFFFFFF  }
0xb8: {  	_ =	strace $0x90000048  }
0xb9: {  	_ =	sfence  }
0xba: {  	s30 =	sld [smem:$0x0];
	_ =	sdelay $0x2  }
0xbb: {  	s31 =	sshll.u32 s1, $0xD;
	s1 =	sshrl.u32 s1, $0x2  }
0xbc: {  	s3 =	sand.u32 $0x4000, s31;
	s1 =	sadd.s32 s1, s30  }
0xbd: {  	s0 =	sor.u32 s3, s0;
	s1 =	sshll.u32 s1, $0x11  }
0xbe: {  	s0 =	sor.u32 s1, s0  }
0xbf: {  	s0 =	sadd.s32 $0x8F2B, s0  }
0xc0: {  	[sflag:s0] =	ssyncadd.remote.s32 $0x1  }
0xc1: {  	_ =	sfence.sel $0xFFFF  }
0xc2: {  	[dreg:$0x0] =	wrdreg $0xFFFFFFFF;
	(pc) =	sbr.abs _section_cstart, $3  }
0xc3: {  	[dreg:$0x1] =	wrdreg $0xFFFFFFFF  }
0xc4: {  	_ =	task.clear_ibuf [dreg:s9], $0x2FFFF;
	_ =	strace $0x9FFFFFFF  }
0xc5: {  	(tm) =	ssettm $0x7FFFFFFF  }
tec
execute0_lowered:
.L_overlay_start_1:
0x0: {  	(tag) =	ssettag $0x1  }
0x1: {  	s1 =	srdreg.scid  }
0x2: {  	s3 =	stileid.u32;
	s2 =	sand.u32 $0x1, s1  }
0x3: {  	s5 =	rddreg [dreg:$0x0];
	s3 =	sshll.u32 s3, $0xE;
	s4 =	sshll.u32 s2, $0xD  }
0x4: {  	s0 =	rddreg [dreg:$0x1];
	s3 =	sor.u32 s4, s3  }
0x5: {  	s7 =	rddreg [dreg:$0x2];
	s1 =	simm.s32 $0x0;
	s6 =	sor.u32 $0x40000, s3  }
0x6: {  	[smem:$0x7FF] =	sst s1;
	s8 =	sor.u32 $0x80000, s3;
	s19 =	sadd.s32 s5, s6  }
0x7: {  	s20 =	sadd.s32 s5, s8;
	[dreg:$0x4] =	wrdreg s19  }
0x8: {  	s22 =	sor.u32 $0xC0000, s3;
	s21 =	sadd.s32 s7, s6;
	[dreg:$0x5] =	wrdreg s20  }
0x9: {  	s2 =	ssub.s32 $0x2, s2;
	s24 =	sadd.s32 s5, s22;
	[dreg:$0x6] =	wrdreg s21  }
0xa: {  	s23 =	sor.u32 $0x800, s3;
	s25 =	sadd.s32 s7, s8;
	[dreg:$0x7] =	wrdreg s24  }
0xb: {  	s18 =	sshrl.u32 s2, $0x1;
	s26 =	sadd.s32 s5, s23;
	[dreg:$0x8] =	wrdreg s25  }
0xc: {  	s9 =	ssub.s32 s2, s18;
	s28 =	sadd.s32 s0, s23;
	[dreg:$0x9] =	wrdreg s26  }
0xd: {  	s29 =	sor.u32 $0x40800, s3;
	s2 =	sadd.s32 s7, s22;
	[dreg:$0xa] =	wrdreg s28  }
0xe: {  	s30 =	sadd.s32 s5, s29;
	[dreg:$0xb] =	wrdreg s2  }
0xf: {  	s31 =	sor.u32 $0x80800, s3;
	s4 =	sadd.s32 s7, s23;
	[dreg:$0xc] =	wrdreg s30  }
0x10: {  	s10 =	sor.u32 $0xC0800, s3;
	s8 =	sadd.s32 s5, s31;
	[dreg:$0xd] =	wrdreg s4  }
0x11: {  	s12 =	sor.u32 $0x1000, s3;
	s11 =	sadd.s32 s5, s10;
	[dreg:$0xe] =	wrdreg s8  }
0x12: {  	s13 =	sadd.s32 s5, s12;
	[dreg:$0x10] =	wrdreg s11  }
0x13: {  	s15 =	sor.u32 $0x41000, s3;
	s14 =	sadd.s32 s0, s12;
	[dreg:$0x12] =	wrdreg s13  }
0x14: {  	s16 =	sor.u32 $0x81000, s3;
	s17 =	sadd.s32 s5, s15;
	[dreg:$0x13] =	wrdreg s14  }
0x15: {  	s18 =	sadd.s32 s5, s16;
	s22 =	sadd.s32 s0, s3;
	[dreg:$0x16] =	wrdreg s17  }
0x16: {  	s2 =	sadd.s32 s7, s29;
	s4 =	sadd.s32 s7, s31;
	[dreg:$0x18] =	wrdreg s18  }
0x17: {  	s19 =	sadd.s32 s7, s16;
	s20 =	sor.u32 $0xC1000, s3;
	s21 =	sor.u32 $0x1800, s3  }
0x18: {  	[dreg:$0x1a] =	wrdreg s22;
	s28 =	sadd.s32 s5, s3;
	s29 =	sor.u32 $0x41800, s3  }
0x19: {  	s30 =	sor.u32 $0x81800, s3;
	s31 =	sor.u32 $0xC1800, s3;
	[dreg:$0xf] =	wrdreg s2  }
0x1a: {  	s8 =	smax.u32 s9, $0x1;
	s11 =	simm.s32 $0x1;
	[dreg:$0x11] =	wrdreg s4  }
0x1b: {  	s13 =	simm.s32 $0x8000;
	s14 =	simm.s32 $0x2;
	[dreg:$0x19] =	wrdreg s19  }
0x1c: {  	s16 =	simm.s32 $0x3;
	s2 =	sadd.s32 s7, s10;
	[smem:$0x7FD] =	sst s28  }
0x1d: {  	s17 =	simm.s32 $0x7;
	s4 =	sadd.s32 s7, s12;
	[dreg:$0x14] =	wrdreg s2  }
0x1e: {  	s0 =	sadd.s32 s0, s21;
	s23 =	sadd.s32 s5, s20;
	[dreg:$0x15] =	wrdreg s4  }
0x1f: {  	s24 =	sadd.s32 s7, s20;
	s25 =	sadd.s32 s5, s21;
	[dreg:$0x1b] =	wrdreg s0  }
0x20: {  	s26 =	sadd.s32 s7, s21;
	s6 =	sadd.s32 s7, s30;
	[dreg:$0x1c] =	wrdreg s23  }
0x21: {  	s10 =	simm.s32 $0x4000;
	s12 =	simm.s32 $0x4;
	[dreg:$0x1d] =	wrdreg s24  }
0x22: {  	s19 =	simm.s32 $0x8;
	s20 =	simm.s32 $0x5;
	[dreg:$0x1e] =	wrdreg s25  }
0x23: {  	s21 =	simm.s32 $0x0;
	s2 =	sadd.s32 s7, s15;
	[dreg:$0x1f] =	wrdreg s26  }
0x24: {  	s0 =	sadd.s32 s7, s3;
	s3 =	sadd.s32 s7, s29;
	s4 =	sadd.s32 s5, s30  }
0x25: {  	s7 =	sadd.s32 s7, s31;
	s15 =	simm.s32 $0x6;
	[dreg:$0x17] =	wrdreg s2  }
0x26: {  	s2 =	sadd.s32 s5, s29;
	s5 =	sadd.s32 s5, s31;
	_ =	strace $0x80000047  }
.LBB2_1:
0x27: {  	s9 =	rddreg [dreg:$0x1a]  }
0x28: {  	s18 =	simm.s32 $0xC000;
	s26 =	sld [smem:$0x7FD]  }
0x29: {  	[tilespmem:s18], [sflag:$0x4] =	stream.linear.gather [hbm4b:s9+s1], $0x4000, $0x38;
	[tilespmem:$0x14000] =	vst v63  }
0x2a: {  	_ = 	snop  }
0x2b: {  	[tilespmem:s1], [sflag:$0x1] =	stream.linear.gather [hbm4b:s26+s1], $0x4000, $0x38;
	[tilespmem:$0x14000] =	vst v63  }
0x2c: {  	s29 =	rddreg [dreg:$0x4]  }
0x2d: {  	[tilespmem:s10], [sflag:$0x2] =	stream.linear.gather [hbm4b:s29+s1], $0x4000, $0x38;
	[tilespmem:$0x14000] =	vst v63  }
0x2e: {  	_ =	swait.ge [sflag:s11], $0x4000  }
0x2f: {  	[sflag:s11] =	ssyncset.done $0x0  }
0x30: {  	s30 =	simm.s32 $0x0;
	s22 =	sand.u32 $0x1C00, s1;
	[sflag:s11] =	ssyncadd.s32 $0xFFFFC000  }
0x31: {  	s23 =	simm.s32 $0x0;
	s9 =	sand.u32 $0x2000, s30;
	_ =	swait.ge [sflag:s12], $0x4000  }
0x32: {  	s31 =	sand.u32 $0x380, s23;
	s9 =	sor.u32 s22, s9;
	[sflag:s12] =	ssyncset.done $0x0  }
0x33: {  	s22 =	sor.u32 s31, s9;
	[sflag:s12] =	ssyncadd.s32 $0xFFFFC000  }
0x34: {  	v0 =	vld [tilespmem:s22+$0xC070]  }
0x35: {  	v5 =	vld [tilespmem:s22+$0xC000]  }
0x36: {  	v6 =	vld [tilespmem:s22+$0xC010]  }
0x37: {  	v4 =	vld [tilespmem:s22+$0xC020]  }
0x38: {  	v1 =	vld [tilespmem:s22+$0xC030]  }
0x39: {  	v3 =	vld [tilespmem:s22+$0xC040]  }
0x3a: {  	s9 =	sor.u32 $0x70, s22;
	v2 =	vld [tilespmem:s22+$0xC060]  }
0x3b: {  	[tilespmem:s9+$0x0] =	vst.add.f32.msk $0xffff, v0  }
0x3c: {  	s28 =	sor.u32 $0x20, s22;
	s26 =	sor.u32 $0x30, s22;
	v0 =	vld [tilespmem:s22+$0xC050]  }
0x3d: {  	s25 =	sor.u32 $0x40, s22;
	s24 =	sor.u32 $0x50, s22;
	s29 =	sor.u32 $0x10, s22;
	[tilespmem:s22+$0x0] =	vst.add.f32.msk $0xffff, v5  }
0x3e: {  	s23 =	sor.u32 $0x60, s22;
	s9 =	simm.s32 $0x0;
	[tilespmem:s29+$0x0] =	vst.add.f32.msk $0xffff, v6;
	s22 =	simm.s32 $0x0  }
.LBB2_2:
0x3f: {  	s9 =	sadd.s32 $0x8, s9;
	[tilespmem:s28+$0x0] =	vst.add.f32.msk $0xffff, v4  }
0x40: {  	s22 =	sadd.s32 $0x400, s22;
	s28 =	sshll.u32 s9, $0x4;
	p0 =	slt.u32 s9, $0x3F8;
	[tilespmem:s26+$0x0] =	vst.add.f32.msk $0xffff, v1  }
0x41: {  	s29 =	sshll.u32 s9, $0x1;
	s26 =	sand.u32 $0x2000, s28;
	s28 =	sand.u32 $0x1C00, s22;
	[tilespmem:s25+$0x0] =	vst.add.f32.msk $0xffff, v3  }
0x42: {  	s25 =	sor.u32 s28, s26;
	s26 =	sand.u32 $0x380, s29;
	[tilespmem:s24+$0x0] =	vst.add.f32.msk $0xffff, v0  }
0x43: {  	s29 =	sor.u32 s26, s25;
	[tilespmem:s23+$0x0] =	vst.add.f32.msk $0xffff, v2  }
0x44: {  	s30 =	sor.u32 $0x10, s29;
	s28 =	sor.u32 $0x20, s29;
	s26 =	sor.u32 $0x30, s29;
	v0 =	vld [tilespmem:s29+$0xC070]  }
0x45: {  	s25 =	sor.u32 $0x40, s29;
	s24 =	sor.u32 $0x50, s29;
	s23 =	sor.u32 $0x60, s29;
	v5 =	vld [tilespmem:s29+$0xC000]  }
0x46: {  	v6 =	vld [tilespmem:s29+$0xC010]  }
0x47: {  	v4 =	vld [tilespmem:s29+$0xC020]  }
0x48: {  	s18 =	sor.u32 $0x70, s29;
	v1 =	vld [tilespmem:s29+$0xC030]  }
0x49: {  	[tilespmem:s18+$0x0] =	vst.add.f32.msk $0xffff, v0  }
.Ltmp0:
0x4a: {  	v3 =	vld [tilespmem:s29+$0xC040];
	(pc) =	sbr.rel @p0 .LBB2_2-.Ltmp0, $4  }
0x4b: {  	v0 =	vld [tilespmem:s29+$0xC050]  }
0x4c: {  	v2 =	vld [tilespmem:s29+$0xC060]  }
0x4d: {  	[tilespmem:s29+$0x0] =	vst.add.f32.msk $0xffff, v5  }
0x4e: {  	[tilespmem:s30+$0x0] =	vst.add.f32.msk $0xffff, v6  }
0x4f: {  	[tilespmem:s28+$0x0] =	vst.add.f32.msk $0xffff, v4  }
0x50: {  	[tilespmem:s26+$0x0] =	vst.add.f32.msk $0xffff, v1  }
0x51: {  	[tilespmem:s25+$0x0] =	vst.add.f32.msk $0xffff, v3  }
0x52: {  	[tilespmem:s24+$0x0] =	vst.add.f32.msk $0xffff, v0  }
0x53: {  	s9 =	simm.s32 $0x0;
	[tilespmem:s23+$0x0] =	vst.add.f32.msk $0xffff, v2  }
0x54: {  	[hbm4b:s0+s9] =	stream.linear.scatter [tilespmem:s9], [sflag:$0x6], $0x4000, $0x38;
	[tilespmem:$0x14000] =	vst v63  }
0x55: {  	s26 =	simm.s32 $0x0;
	s29 =	simm.s32 $0x0;
	s18 =	rddreg [dreg:$0x5]  }
0x56: {  	[tilespmem:s13], [sflag:$0x3] =	stream.linear.gather [hbm4b:s18+s9], $0x4000, $0x38;
	[tilespmem:$0x14000] =	vst v63  }
0x57: {  	s22 =	sand.u32 $0x1C00, s9;
	s18 =	sand.u32 $0x2000, s26;
	_ =	swait.ge [sflag:s14], $0x4000  }
0x58: {  	s30 =	sand.u32 $0x380, s29;
	s18 =	sor.u32 s22, s18;
	[sflag:s14] =	ssyncset.done $0x0  }
0x59: {  	s18 =	sor.u32 s30, s18;
	[sflag:s14] =	ssyncadd.s32 $0xFFFFC000  }
0x5a: {  	v0 =	vld [tilespmem:s18+$0xC070]  }
0x5b: {  	v5 =	vld [tilespmem:s18+$0xC000]  }
0x5c: {  	v6 =	vld [tilespmem:s18+$0xC010]  }
0x5d: {  	v4 =	vld [tilespmem:s18+$0xC020]  }
0x5e: {  	v1 =	vld [tilespmem:s18+$0xC030]  }
0x5f: {  	v3 =	vld [tilespmem:s18+$0xC040]  }
0x60: {  	s22 =	sor.u32 $0x4070, s18;
	v2 =	vld [tilespmem:s18+$0xC060]  }
0x61: {  	[tilespmem:s22+$0x0] =	vst.add.f32.msk $0xffff, v0  }
0x62: {  	s31 =	sor.u32 $0x4000, s18;
	s29 =	sor.u32 $0x4010, s18;
	v0 =	vld [tilespmem:s18+$0xC050]  }
0x63: {  	s26 =	sor.u32 $0x4020, s18;
	s28 =	sor.u32 $0x4030, s18;
	s25 =	sor.u32 $0x4040, s18;
	[tilespmem:s31+$0x0] =	vst.add.f32.msk $0xffff, v5  }
0x64: {  	s23 =	sor.u32 $0x4050, s18;
	s24 =	sor.u32 $0x4060, s18;
	s22 =	simm.s32 $0x0;
	[tilespmem:s29+$0x0] =	vst.add.f32.msk $0xffff, v6  }
.LBB2_4:
0x65: {  	s22 =	sadd.s32 $0x8, s22;
	[tilespmem:s26+$0x0] =	vst.add.f32.msk $0xffff, v4  }
0x66: {  	s9 =	sadd.s32 $0x400, s9;
	s18 =	sshll.u32 s22, $0x4;
	p0 =	slt.u32 s22, $0x3F8;
	[tilespmem:s28+$0x0] =	vst.add.f32.msk $0xffff, v1  }
0x67: {  	s26 =	sand.u32 $0x1C00, s9;
	s28 =	sshll.u32 s22, $0x1;
	s18 =	sand.u32 $0x2000, s18;
	[tilespmem:s25+$0x0] =	vst.add.f32.msk $0xffff, v3  }
0x68: {  	s25 =	sand.u32 $0x380, s28;
	s18 =	sor.u32 s26, s18;
	[tilespmem:s23+$0x0] =	vst.add.f32.msk $0xffff, v0  }
0x69: {  	s18 =	sor.u32 s25, s18;
	[tilespmem:s24+$0x0] =	vst.add.f32.msk $0xffff, v2  }
0x6a: {  	s29 =	sor.u32 $0x4000, s18;
	s30 =	sor.u32 $0x4010, s18;
	s26 =	sor.u32 $0x4020, s18;
	v0 =	vld [tilespmem:s18+$0xC070]  }
0x6b: {  	s28 =	sor.u32 $0x4030, s18;
	s25 =	sor.u32 $0x4040, s18;
	s23 =	sor.u32 $0x4050, s18;
	v5 =	vld [tilespmem:s18+$0xC000]  }
0x6c: {  	s24 =	sor.u32 $0x4060, s18;
	v6 =	vld [tilespmem:s18+$0xC010]  }
0x6d: {  	v4 =	vld [tilespmem:s18+$0xC020]  }
0x6e: {  	s31 =	sor.u32 $0x4070, s18;
	v1 =	vld [tilespmem:s18+$0xC030]  }
0x6f: {  	[tilespmem:s31+$0x0] =	vst.add.f32.msk $0xffff, v0  }
.Ltmp1:
0x70: {  	v3 =	vld [tilespmem:s18+$0xC040];
	(pc) =	sbr.rel @p0 .LBB2_4-.Ltmp1, $4  }
0x71: {  	v0 =	vld [tilespmem:s18+$0xC050]  }
0x72: {  	v2 =	vld [tilespmem:s18+$0xC060]  }
0x73: {  	[tilespmem:s29+$0x0] =	vst.add.f32.msk $0xffff, v5  }
0x74: {  	[tilespmem:s30+$0x0] =	vst.add.f32.msk $0xffff, v6  }
0x75: {  	[tilespmem:s26+$0x0] =	vst.add.f32.msk $0xffff, v4  }
0x76: {  	[tilespmem:s28+$0x0] =	vst.add.f32.msk $0xffff, v1  }
0x77: {  	[tilespmem:s25+$0x0] =	vst.add.f32.msk $0xffff, v3  }
0x78: {  	[tilespmem:s23+$0x0] =	vst.add.f32.msk $0xffff, v0  }
0x79: {  	[tilespmem:s24+$0x0] =	vst.add.f32.msk $0xffff, v2  }
0x7a: {  	s9 =	simm.s32 $0x0;
	s18 =	rddreg [dreg:$0x6]  }
0x7b: {  	[hbm4b:s18+s9] =	stream.linear.scatter [tilespmem:s10], [sflag:$0x7], $0x4000, $0x38;
	[tilespmem:$0x14000] =	vst v63  }
0x7c: {  	_ =	swait.ge [sflag:s15], $0x4000  }
0x7d: {  	s26 =	simm.s32 $0x0;
	[sflag:s15] =	ssyncset.done $0x0  }
0x7e: {  	s29 =	simm.s32 $0x0;
	s25 =	rddreg [dreg:$0x7];
	[sflag:s15] =	ssyncadd.s32 $0xFFFFC000  }
0x7f: {  	[tilespmem:s9], [sflag:$0x1] =	stream.linear.gather [hbm4b:s25+s9], $0x4000, $0x38;
	[tilespmem:$0x14000] =	vst v63  }
0x80: {  	s22 =	sand.u32 $0x1C00, s9;
	s18 =	sand.u32 $0x2000, s26;
	_ =	swait.ge [sflag:s16], $0x4000  }
0x81: {  	s30 =	sand.u32 $0x380, s29;
	s18 =	sor.u32 s22, s18;
	[sflag:s16] =	ssyncset.done $0x0  }
0x82: {  	s18 =	sor.u32 s30, s18;
	[sflag:s16] =	ssyncadd.s32 $0xFFFFC000  }
0x83: {  	v0 =	vld [tilespmem:s18+$0xC070]  }
0x84: {  	v5 =	vld [tilespmem:s18+$0xC000]  }
0x85: {  	v6 =	vld [tilespmem:s18+$0xC010]  }
0x86: {  	v4 =	vld [tilespmem:s18+$0xC020]  }
0x87: {  	v1 =	vld [tilespmem:s18+$0xC030]  }
0x88: {  	v3 =	vld [tilespmem:s18+$0xC040]  }
0x89: {  	s22 =	sor.u32 $0x8070, s18;
	v2 =	vld [tilespmem:s18+$0xC060]  }
0x8a: {  	[tilespmem:s22+$0x0] =	vst.add.f32.msk $0xffff, v0  }
0x8b: {  	s31 =	sor.u32 $0x8000, s18;
	s29 =	sor.u32 $0x8010, s18;
	v0 =	vld [tilespmem:s18+$0xC050]  }
0x8c: {  	s26 =	sor.u32 $0x8020, s18;
	s28 =	sor.u32 $0x8030, s18;
	s23 =	sor.u32 $0x8050, s18;
	[tilespmem:s31+$0x0] =	vst.add.f32.msk $0xffff, v5  }
0x8d: {  	s24 =	sor.u32 $0x8060, s18;
	s25 =	sor.u32 $0x8040, s18;
	s22 =	simm.s32 $0x0;
	[tilespmem:s29+$0x0] =	vst.add.f32.msk $0xffff, v6  }
.LBB2_6:
0x8e: {  	s22 =	sadd.s32 $0x8, s22;
	[tilespmem:s26+$0x0] =	vst.add.f32.msk $0xffff, v4  }
0x8f: {  	s9 =	sadd.s32 $0x400, s9;
	s18 =	sshll.u32 s22, $0x4;
	p0 =	slt.u32 s22, $0x3F8;
	[tilespmem:s28+$0x0] =	vst.add.f32.msk $0xffff, v1  }
0x90: {  	s26 =	sand.u32 $0x1C00, s9;
	s28 =	sshll.u32 s22, $0x1;
	s18 =	sand.u32 $0x2000, s18;
	[tilespmem:s25+$0x0] =	vst.add.f32.msk $0xffff, v3  }
0x91: {  	s25 =	sand.u32 $0x380, s28;
	s18 =	sor.u32 s26, s18;
	[tilespmem:s23+$0x0] =	vst.add.f32.msk $0xffff, v0  }
0x92: {  	s18 =	sor.u32 s25, s18;
	[tilespmem:s24+$0x0] =	vst.add.f32.msk $0xffff, v2  }
0x93: {  	s29 =	sor.u32 $0x8000, s18;
	s30 =	sor.u32 $0x8010, s18;
	s26 =	sor.u32 $0x8020, s18;
	v0 =	vld [tilespmem:s18+$0xC070]  }
0x94: {  	s28 =	sor.u32 $0x8030, s18;
	s25 =	sor.u32 $0x8040, s18;
	s23 =	sor.u32 $0x8050, s18;
	v5 =	vld [tilespmem:s18+$0xC000]  }
0x95: {  	s24 =	sor.u32 $0x8060, s18;
	v6 =	vld [tilespmem:s18+$0xC010]  }
0x96: {  	v4 =	vld [tilespmem:s18+$0xC020]  }
0x97: {  	s31 =	sor.u32 $0x8070, s18;
	v1 =	vld [tilespmem:s18+$0xC030]  }
0x98: {  	[tilespmem:s31+$0x0] =	vst.add.f32.msk $0xffff, v0  }
.Ltmp2:
0x99: {  	v3 =	vld [tilespmem:s18+$0xC040];
	(pc) =	sbr.rel @p0 .LBB2_6-.Ltmp2, $4  }
0x9a: {  	v0 =	vld [tilespmem:s18+$0xC050]  }
0x9b: {  	v2 =	vld [tilespmem:s18+$0xC060]  }
0x9c: {  	[tilespmem:s29+$0x0] =	vst.add.f32.msk $0xffff, v5  }
0x9d: {  	[tilespmem:s30+$0x0] =	vst.add.f32.msk $0xffff, v6  }
0x9e: {  	[tilespmem:s26+$0x0] =	vst.add.f32.msk $0xffff, v4  }
0x9f: {  	[tilespmem:s28+$0x0] =	vst.add.f32.msk $0xffff, v1  }
0xa0: {  	[tilespmem:s25+$0x0] =	vst.add.f32.msk $0xffff, v3  }
0xa1: {  	[tilespmem:s23+$0x0] =	vst.add.f32.msk $0xffff, v0  }
0xa2: {  	[tilespmem:s24+$0x0] =	vst.add.f32.msk $0xffff, v2  }
0xa3: {  	s9 =	simm.s32 $0x0;
	s18 =	rddreg [dreg:$0x8]  }
0xa4: {  	[hbm4b:s18+s9] =	stream.linear.scatter [tilespmem:s13], [sflag:$0x8], $0x4000, $0x38;
	[tilespmem:$0x14000] =	vst v63  }
0xa5: {  	_ =	swait.ge [sflag:s17], $0x4000  }
0xa6: {  	[sflag:s17] =	ssyncset.done $0x0  }
0xa7: {  	s22 =	simm.s32 $0x10000;
	s24 =	rddreg [dreg:$0x9];
	[sflag:s17] =	ssyncadd.s32 $0xFFFFC000  }
0xa8: {  	[tilespmem:s10], [sflag:$0x2] =	stream.linear.gather [hbm4b:s24+s9], $0x4000, $0x38;
	[tilespmem:$0x14000] =	vst v63  }
0xa9: {  	s26 =	simm.s32 $0x0;
	s30 =	simm.s32 $0x0;
	s25 =	rddreg [dreg:$0xa]  }
0xaa: {  	[tilespmem:s22], [sflag:$0x5] =	stream.linear.gather [hbm4b:s25+s9], $0x4000, $0x38;
	[tilespmem:$0x14000] =	vst v63  }
0xab: {  	s29 =	sand.u32 $0x1C00, s9;
	s18 =	sand.u32 $0x2000, s26;
	_ =	swait.ge [sflag:s11], $0x4000  }
0xac: {  	s31 =	sand.u32 $0x380, s30;
	s18 =	sor.u32 s29, s18;
	[sflag:s11] =	ssyncset.done $0x0  }
0xad: {  	s18 =	sor.u32 s31, s18;
	[sflag:s11] =	ssyncadd.s32 $0xFFFFC000  }
0xae: {  	v0 =	vld [tilespmem:s18+$0xC070]  }
0xaf: {  	v5 =	vld [tilespmem:s18+$0xC000]  }
0xb0: {  	v6 =	vld [tilespmem:s18+$0xC010]  }
0xb1: {  	v4 =	vld [tilespmem:s18+$0xC020]  }
0xb2: {  	v2 =	vld [tilespmem:s18+$0xC030]  }
0xb3: {  	v3 =	vld [tilespmem:s18+$0xC040]  }
0xb4: {  	s22 =	sor.u32 $0x70, s18;
	v1 =	vld [tilespmem:s18+$0xC060]  }
0xb5: {  	[tilespmem:s22+$0x0] =	vst.add.f32.msk $0xffff, v0  }
0xb6: {  	s29 =	sor.u32 $0x10, s18;
	v0 =	vld [tilespmem:s18+$0xC050]  }
0xb7: {  	s28 =	sor.u32 $0x20, s18;
	s26 =	sor.u32 $0x30, s18;
	s23 =	sor.u32 $0x60, s18;
	[tilespmem:s18+$0x0] =	vst.add.f32.msk $0xffff, v5  }
0xb8: {  	s24 =	sor.u32 $0x50, s18;
	s25 =	sor.u32 $0x40, s18;
	s22 =	simm.s32 $0x0;
	[tilespmem:s29+$0x0] =	vst.add.f32.msk $0xffff, v6  }
.LBB2_8:
0xb9: {  	s22 =	sadd.s32 $0x8, s22;
	[tilespmem:s28+$0x0] =	vst.add.f32.msk $0xffff, v4  }
0xba: {  	s9 =	sadd.s32 $0x400, s9;
	s18 =	sshll.u32 s22, $0x4;
	p0 =	slt.u32 s22, $0x3F8;
	[tilespmem:s26+$0x0] =	vst.add.f32.msk $0xffff, v2  }
0xbb: {  	s26 =	sand.u32 $0x1C00, s9;
	s28 =	sshll.u32 s22, $0x1;
	s18 =	sand.u32 $0x2000, s18;
	[tilespmem:s25+$0x0] =	vst.add.f32.msk $0xffff, v3  }
0xbc: {  	s25 =	sand.u32 $0x380, s28;
	s18 =	sor.u32 s26, s18;
	[tilespmem:s24+$0x0] =	vst.add.f32.msk $0xffff, v0  }
0xbd: {  	s18 =	sor.u32 s25, s18;
	[tilespmem:s23+$0x0] =	vst.add.f32.msk $0xffff, v1  }
0xbe: {  	s29 =	sor.u32 $0x10, s18;
	s28 =	sor.u32 $0x20, s18;
	s26 =	sor.u32 $0x30, s18;
	v0 =	vld [tilespmem:s18+$0xC070]  }
0xbf: {  	s25 =	sor.u32 $0x40, s18;
	s24 =	sor.u32 $0x50, s18;
	s23 =	sor.u32 $0x60, s18;
	v5 =	vld [tilespmem:s18+$0xC000]  }
0xc0: {  	v6 =	vld [tilespmem:s18+$0xC010]  }
0xc1: {  	v4 =	vld [tilespmem:s18+$0xC020]  }
0xc2: {  	s30 =	sor.u32 $0x70, s18;
	v2 =	vld [tilespmem:s18+$0xC030]  }
0xc3: {  	[tilespmem:s30+$0x0] =	vst.add.f32.msk $0xffff, v0  }
.Ltmp3:
0xc4: {  	v3 =	vld [tilespmem:s18+$0xC040];
	(pc) =	sbr.rel @p0 .LBB2_8-.Ltmp3, $4  }
0xc5: {  	v0 =	vld [tilespmem:s18+$0xC050]  }
0xc6: {  	v1 =	vld [tilespmem:s18+$0xC060]  }
0xc7: {  	[tilespmem:s18+$0x0] =	vst.add.f32.msk $0xffff, v5  }
0xc8: {  	[tilespmem:s29+$0x0] =	vst.add.f32.msk $0xffff, v6  }
0xc9: {  	[tilespmem:s28+$0x0] =	vst.add.f32.msk $0xffff, v4  }
0xca: {  	[tilespmem:s26+$0x0] =	vst.add.f32.msk $0xffff, v2  }
0xcb: {  	[tilespmem:s25+$0x0] =	vst.add.f32.msk $0xffff, v3  }
0xcc: {  	[tilespmem:s24+$0x0] =	vst.add.f32.msk $0xffff, v0  }
0xcd: {  	[tilespmem:s23+$0x0] =	vst.add.f32.msk $0xffff, v1  }
0xce: {  	s9 =	simm.s32 $0x0;
	s18 =	rddreg [dreg:$0xb]  }
0xcf: {  	[hbm4b:s18+s9] =	stream.linear.scatter [tilespmem:s9], [sflag:$0x6], $0x4000, $0x38;
	[tilespmem:$0x14000] =	vst v63  }
0xd0: {  	_ =	swait.ge [sflag:s19], $0x4000  }
0xd1: {  	[sflag:s19] =	ssyncset.done $0x0  }
0xd2: {  	s25 =	rddreg [dreg:$0xc];
	[sflag:s19] =	ssyncadd.s32 $0xFFFFC000  }
0xd3: {  	[tilespmem:s13], [sflag:$0x3] =	stream.linear.gather [hbm4b:s25+s9], $0x4000, $0x38;
	[tilespmem:$0x14000] =	vst v63  }
0xd4: {  	_ =	swait.ge [sflag:s14], $0x4000  }
0xd5: {  	[sflag:s14] =	ssyncset.done $0x0  }
0xd6: {  	s26 =	simm.s32 $0x0;
	s29 =	simm.s32 $0x0;
	[sflag:s14] =	ssyncadd.s32 $0xFFFFC000  }
0xd7: {  	s22 =	sand.u32 $0x1C00, s9;
	s18 =	sand.u32 $0x2000, s26;
	_ =	swait.ge [sflag:s20], $0x4000  }
0xd8: {  	s30 =	sand.u32 $0x380, s29;
	s18 =	sor.u32 s22, s18;
	[sflag:s20] =	ssyncset.done $0x0  }
0xd9: {  	s18 =	sor.u32 s30, s18;
	[sflag:s20] =	ssyncadd.s32 $0xFFFFC000  }
0xda: {  	v0 =	vld [tilespmem:s18+$0x10070]  }
0xdb: {  	v5 =	vld [tilespmem:s18+$0x10000]  }
0xdc: {  	v6 =	vld [tilespmem:s18+$0x10010]  }
0xdd: {  	v4 =	vld [tilespmem:s18+$0x10020]  }
0xde: {  	v1 =	vld [tilespmem:s18+$0x10030]  }
0xdf: {  	v3 =	vld [tilespmem:s18+$0x10040]  }
0xe0: {  	s22 =	sor.u32 $0x4070, s18;
	v2 =	vld [tilespmem:s18+$0x10060]  }
0xe1: {  	[tilespmem:s22+$0x0] =	vst.add.f32.msk $0xffff, v0  }
0xe2: {  	s31 =	sor.u32 $0x4000, s18;
	s29 =	sor.u32 $0x4010, s18;
	v0 =	vld [tilespmem:s18+$0x10050]  }
0xe3: {  	s26 =	sor.u32 $0x4020, s18;
	s28 =	sor.u32 $0x4030, s18;
	s23 =	sor.u32 $0x4050, s18;
	[tilespmem:s31+$0x0] =	vst.add.f32.msk $0xffff, v5  }
0xe4: {  	s24 =	sor.u32 $0x4060, s18;
	s25 =	sor.u32 $0x4040, s18;
	s22 =	simm.s32 $0x0;
	[tilespmem:s29+$0x0] =	vst.add.f32.msk $0xffff, v6  }
.LBB2_10:
0xe5: {  	s22 =	sadd.s32 $0x8, s22;
	[tilespmem:s26+$0x0] =	vst.add.f32.msk $0xffff, v4  }
0xe6: {  	s9 =	sadd.s32 $0x400, s9;
	s18 =	sshll.u32 s22, $0x4;
	p0 =	slt.u32 s22, $0x3F8;
	[tilespmem:s28+$0x0] =	vst.add.f32.msk $0xffff, v1  }
0xe7: {  	s26 =	sand.u32 $0x1C00, s9;
	s28 =	sshll.u32 s22, $0x1;
	s18 =	sand.u32 $0x2000, s18;
	[tilespmem:s25+$0x0] =	vst.add.f32.msk $0xffff, v3  }
0xe8: {  	s25 =	sand.u32 $0x380, s28;
	s18 =	sor.u32 s26, s18;
	[tilespmem:s23+$0x0] =	vst.add.f32.msk $0xffff, v0  }
0xe9: {  	s18 =	sor.u32 s25, s18;
	[tilespmem:s24+$0x0] =	vst.add.f32.msk $0xffff, v2  }
0xea: {  	s29 =	sor.u32 $0x4000, s18;
	s30 =	sor.u32 $0x4010, s18;
	s26 =	sor.u32 $0x4020, s18;
	v0 =	vld [tilespmem:s18+$0x10070]  }
0xeb: {  	s28 =	sor.u32 $0x4030, s18;
	s25 =	sor.u32 $0x4040, s18;
	s23 =	sor.u32 $0x4050, s18;
	v5 =	vld [tilespmem:s18+$0x10000]  }
0xec: {  	s24 =	sor.u32 $0x4060, s18;
	v6 =	vld [tilespmem:s18+$0x10010]  }
0xed: {  	v4 =	vld [tilespmem:s18+$0x10020]  }
0xee: {  	s31 =	sor.u32 $0x4070, s18;
	v1 =	vld [tilespmem:s18+$0x10030]  }
0xef: {  	[tilespmem:s31+$0x0] =	vst.add.f32.msk $0xffff, v0  }
.Ltmp4:
0xf0: {  	v3 =	vld [tilespmem:s18+$0x10040];
	(pc) =	sbr.rel @p0 .LBB2_10-.Ltmp4, $4  }
0xf1: {  	v0 =	vld [tilespmem:s18+$0x10050]  }
0xf2: {  	v2 =	vld [tilespmem:s18+$0x10060]  }
0xf3: {  	[tilespmem:s29+$0x0] =	vst.add.f32.msk $0xffff, v5  }
0xf4: {  	[tilespmem:s30+$0x0] =	vst.add.f32.msk $0xffff, v6  }
0xf5: {  	[tilespmem:s26+$0x0] =	vst.add.f32.msk $0xffff, v4  }
0xf6: {  	[tilespmem:s28+$0x0] =	vst.add.f32.msk $0xffff, v1  }
0xf7: {  	[tilespmem:s25+$0x0] =	vst.add.f32.msk $0xffff, v3  }
0xf8: {  	[tilespmem:s23+$0x0] =	vst.add.f32.msk $0xffff, v0  }
0xf9: {  	[tilespmem:s24+$0x0] =	vst.add.f32.msk $0xffff, v2  }
0xfa: {  	s9 =	simm.s32 $0x0;
	s18 =	rddreg [dreg:$0xd]  }
0xfb: {  	[hbm4b:s18+s9] =	stream.linear.scatter [tilespmem:s10], [sflag:$0x7], $0x4000, $0x38;
	[tilespmem:$0x14000] =	vst v63  }
0xfc: {  	_ =	swait.ge [sflag:s15], $0x4000  }
0xfd: {  	s26 =	simm.s32 $0x0;
	[sflag:s15] =	ssyncset.done $0x0  }
0xfe: {  	s29 =	simm.s32 $0x0;
	s25 =	rddreg [dreg:$0xe];
	[sflag:s15] =	ssyncadd.s32 $0xFFFFC000  }
0xff: {  	[tilespmem:s9], [sflag:$0x1] =	stream.linear.gather [hbm4b:s25+s9], $0x4000, $0x38;
	[tilespmem:$0x14000] =	vst v63  }
0x100: {  	s22 =	sand.u32 $0x1C00, s9;
	s18 =	sand.u32 $0x2000, s26;
	_ =	swait.ge [sflag:s16], $0x4000  }
0x101: {  	s30 =	sand.u32 $0x380, s29;
	s18 =	sor.u32 s22, s18;
	[sflag:s16] =	ssyncset.done $0x0  }
0x102: {  	s18 =	sor.u32 s30, s18;
	[sflag:s16] =	ssyncadd.s32 $0xFFFFC000  }
0x103: {  	v0 =	vld [tilespmem:s18+$0x10070]  }
0x104: {  	v5 =	vld [tilespmem:s18+$0x10000]  }
0x105: {  	v6 =	vld [tilespmem:s18+$0x10010]  }
0x106: {  	v4 =	vld [tilespmem:s18+$0x10020]  }
0x107: {  	v1 =	vld [tilespmem:s18+$0x10030]  }
0x108: {  	v3 =	vld [tilespmem:s18+$0x10040]  }
0x109: {  	s22 =	sor.u32 $0x8070, s18;
	v2 =	vld [tilespmem:s18+$0x10060]  }
0x10a: {  	[tilespmem:s22+$0x0] =	vst.add.f32.msk $0xffff, v0  }
0x10b: {  	s31 =	sor.u32 $0x8000, s18;
	s29 =	sor.u32 $0x8010, s18;
	v0 =	vld [tilespmem:s18+$0x10050]  }
0x10c: {  	s26 =	sor.u32 $0x8020, s18;
	s28 =	sor.u32 $0x8030, s18;
	s23 =	sor.u32 $0x8050, s18;
	[tilespmem:s31+$0x0] =	vst.add.f32.msk $0xffff, v5  }
0x10d: {  	s24 =	sor.u32 $0x8060, s18;
	s25 =	sor.u32 $0x8040, s18;
	s22 =	simm.s32 $0x0;
	[tilespmem:s29+$0x0] =	vst.add.f32.msk $0xffff, v6  }
.LBB2_12:
0x10e: {  	s22 =	sadd.s32 $0x8, s22;
	[tilespmem:s26+$0x0] =	vst.add.f32.msk $0xffff, v4  }
0x10f: {  	s9 =	sadd.s32 $0x400, s9;
	s18 =	sshll.u32 s22, $0x4;
	p0 =	slt.u32 s22, $0x3F8;
	[tilespmem:s28+$0x0] =	vst.add.f32.msk $0xffff, v1  }
0x110: {  	s26 =	sand.u32 $0x1C00, s9;
	s28 =	sshll.u32 s22, $0x1;
	s18 =	sand.u32 $0x2000, s18;
	[tilespmem:s25+$0x0] =	vst.add.f32.msk $0xffff, v3  }
0x111: {  	s25 =	sand.u32 $0x380, s28;
	s18 =	sor.u32 s26, s18;
	[tilespmem:s23+$0x0] =	vst.add.f32.msk $0xffff, v0  }
0x112: {  	s18 =	sor.u32 s25, s18;
	[tilespmem:s24+$0x0] =	vst.add.f32.msk $0xffff, v2  }
0x113: {  	s29 =	sor.u32 $0x8000, s18;
	s30 =	sor.u32 $0x8010, s18;
	s26 =	sor.u32 $0x8020, s18;
	v0 =	vld [tilespmem:s18+$0x10070]  }
0x114: {  	s28 =	sor.u32 $0x8030, s18;
	s25 =	sor.u32 $0x8040, s18;
	s23 =	sor.u32 $0x8050, s18;
	v5 =	vld [tilespmem:s18+$0x10000]  }
0x115: {  	s24 =	sor.u32 $0x8060, s18;
	v6 =	vld [tilespmem:s18+$0x10010]  }
0x116: {  	v4 =	vld [tilespmem:s18+$0x10020]  }
0x117: {  	s31 =	sor.u32 $0x8070, s18;
	v1 =	vld [tilespmem:s18+$0x10030]  }
0x118: {  	[tilespmem:s31+$0x0] =	vst.add.f32.msk $0xffff, v0  }
.Ltmp5:
0x119: {  	v3 =	vld [tilespmem:s18+$0x10040];
	(pc) =	sbr.rel @p0 .LBB2_12-.Ltmp5, $4  }
0x11a: {  	v0 =	vld [tilespmem:s18+$0x10050]  }
0x11b: {  	v2 =	vld [tilespmem:s18+$0x10060]  }
0x11c: {  	[tilespmem:s29+$0x0] =	vst.add.f32.msk $0xffff, v5  }
0x11d: {  	[tilespmem:s30+$0x0] =	vst.add.f32.msk $0xffff, v6  }
0x11e: {  	[tilespmem:s26+$0x0] =	vst.add.f32.msk $0xffff, v4  }
0x11f: {  	[tilespmem:s28+$0x0] =	vst.add.f32.msk $0xffff, v1  }
0x120: {  	[tilespmem:s25+$0x0] =	vst.add.f32.msk $0xffff, v3  }
0x121: {  	[tilespmem:s23+$0x0] =	vst.add.f32.msk $0xffff, v0  }
0x122: {  	[tilespmem:s24+$0x0] =	vst.add.f32.msk $0xffff, v2  }
0x123: {  	s9 =	simm.s32 $0x0;
	s18 =	rddreg [dreg:$0xf]  }
0x124: {  	[hbm4b:s18+s9] =	stream.linear.scatter [tilespmem:s13], [sflag:$0x8], $0x4000, $0x38;
	[tilespmem:$0x14000] =	vst v63  }
0x125: {  	_ =	swait.ge [sflag:s17], $0x4000  }
0x126: {  	s29 =	simm.s32 $0x0;
	[sflag:s17] =	ssyncset.done $0x0  }
0x127: {  	s30 =	simm.s32 $0x0;
	s26 =	rddreg [dreg:$0x10];
	[sflag:s17] =	ssyncadd.s32 $0xFFFFC000  }
0x128: {  	[tilespmem:s10], [sflag:$0x2] =	stream.linear.gather [hbm4b:s26+s9], $0x4000, $0x38;
	[tilespmem:$0x14000] =	vst v63  }
0x129: {  	s22 =	sand.u32 $0x1C00, s9;
	s18 =	sand.u32 $0x2000, s29;
	_ =	swait.ge [sflag:s11], $0x4000  }
0x12a: {  	s31 =	sand.u32 $0x380, s30;
	s18 =	sor.u32 s22, s18;
	[sflag:s11] =	ssyncset.done $0x0  }
0x12b: {  	s18 =	sor.u32 s31, s18;
	[sflag:s11] =	ssyncadd.s32 $0xFFFFC000  }
0x12c: {  	v0 =	vld [tilespmem:s18+$0x10070]  }
0x12d: {  	v5 =	vld [tilespmem:s18+$0x10000]  }
0x12e: {  	v6 =	vld [tilespmem:s18+$0x10010]  }
0x12f: {  	v4 =	vld [tilespmem:s18+$0x10020]  }
0x130: {  	v2 =	vld [tilespmem:s18+$0x10030]  }
0x131: {  	v3 =	vld [tilespmem:s18+$0x10040]  }
0x132: {  	s22 =	sor.u32 $0x70, s18;
	v1 =	vld [tilespmem:s18+$0x10060]  }
0x133: {  	[tilespmem:s22+$0x0] =	vst.add.f32.msk $0xffff, v0  }
0x134: {  	s29 =	sor.u32 $0x10, s18;
	v0 =	vld [tilespmem:s18+$0x10050]  }
0x135: {  	s28 =	sor.u32 $0x20, s18;
	s25 =	sor.u32 $0x40, s18;
	s24 =	sor.u32 $0x50, s18;
	[tilespmem:s18+$0x0] =	vst.add.f32.msk $0xffff, v5  }
0x136: {  	s23 =	sor.u32 $0x60, s18;
	s26 =	sor.u32 $0x30, s18;
	s22 =	simm.s32 $0x0;
	[tilespmem:s29+$0x0] =	vst.add.f32.msk $0xffff, v6  }
.LBB2_14:
0x137: {  	s22 =	sadd.s32 $0x8, s22;
	[tilespmem:s28+$0x0] =	vst.add.f32.msk $0xffff, v4  }
0x138: {  	s9 =	sadd.s32 $0x400, s9;
	s18 =	sshll.u32 s22, $0x4;
	p0 =	slt.u32 s22, $0x3F8;
	[tilespmem:s26+$0x0] =	vst.add.f32.msk $0xffff, v2  }
0x139: {  	s26 =	sand.u32 $0x1C00, s9;
	s28 =	sshll.u32 s22, $0x1;
	s18 =	sand.u32 $0x2000, s18;
	[tilespmem:s25+$0x0] =	vst.add.f32.msk $0xffff, v3  }
0x13a: {  	s25 =	sand.u32 $0x380, s28;
	s18 =	sor.u32 s26, s18;
	[tilespmem:s24+$0x0] =	vst.add.f32.msk $0xffff, v0  }
0x13b: {  	s18 =	sor.u32 s25, s18;
	[tilespmem:s23+$0x0] =	vst.add.f32.msk $0xffff, v1  }
0x13c: {  	s29 =	sor.u32 $0x10, s18;
	s28 =	sor.u32 $0x20, s18;
	s26 =	sor.u32 $0x30, s18;
	v0 =	vld [tilespmem:s18+$0x10070]  }
0x13d: {  	s25 =	sor.u32 $0x40, s18;
	s24 =	sor.u32 $0x50, s18;
	s23 =	sor.u32 $0x60, s18;
	v5 =	vld [tilespmem:s18+$0x10000]  }
0x13e: {  	v6 =	vld [tilespmem:s18+$0x10010]  }
0x13f: {  	v4 =	vld [tilespmem:s18+$0x10020]  }
0x140: {  	s30 =	sor.u32 $0x70, s18;
	v2 =	vld [tilespmem:s18+$0x10030]  }
0x141: {  	[tilespmem:s30+$0x0] =	vst.add.f32.msk $0xffff, v0  }
.Ltmp6:
0x142: {  	v3 =	vld [tilespmem:s18+$0x10040];
	(pc) =	sbr.rel @p0 .LBB2_14-.Ltmp6, $4  }
0x143: {  	v0 =	vld [tilespmem:s18+$0x10050]  }
0x144: {  	v1 =	vld [tilespmem:s18+$0x10060]  }
0x145: {  	[tilespmem:s18+$0x0] =	vst.add.f32.msk $0xffff, v5  }
0x146: {  	[tilespmem:s29+$0x0] =	vst.add.f32.msk $0xffff, v6  }
0x147: {  	[tilespmem:s28+$0x0] =	vst.add.f32.msk $0xffff, v4  }
0x148: {  	[tilespmem:s26+$0x0] =	vst.add.f32.msk $0xffff, v2  }
0x149: {  	[tilespmem:s25+$0x0] =	vst.add.f32.msk $0xffff, v3  }
0x14a: {  	[tilespmem:s24+$0x0] =	vst.add.f32.msk $0xffff, v0  }
0x14b: {  	[tilespmem:s23+$0x0] =	vst.add.f32.msk $0xffff, v1  }
0x14c: {  	s9 =	simm.s32 $0x0;
	s18 =	rddreg [dreg:$0x11]  }
0x14d: {  	[hbm4b:s18+s9] =	stream.linear.scatter [tilespmem:s9], [sflag:$0x6], $0x4000, $0x38;
	[tilespmem:$0x14000] =	vst v63  }
0x14e: {  	_ =	swait.ge [sflag:s19], $0x4000  }
0x14f: {  	[sflag:s19] =	ssyncset.done $0x0  }
0x150: {  	s22 =	simm.s32 $0xC000;
	s23 =	rddreg [dreg:$0x12];
	[sflag:s19] =	ssyncadd.s32 $0xFFFFC000  }
0x151: {  	[tilespmem:s13], [sflag:$0x3] =	stream.linear.gather [hbm4b:s23+s9], $0x4000, $0x38;
	[tilespmem:$0x14000] =	vst v63  }
0x152: {  	s25 =	simm.s32 $0x0;
	s29 =	simm.s32 $0x0;
	s24 =	rddreg [dreg:$0x13]  }
0x153: {  	[tilespmem:s22], [sflag:$0x4] =	stream.linear.gather [hbm4b:s24+s9], $0x4000, $0x38;
	[tilespmem:$0x14000] =	vst v63  }
0x154: {  	s26 =	sand.u32 $0x1C00, s9;
	s18 =	sand.u32 $0x2000, s25;
	_ =	swait.ge [sflag:s14], $0x4000  }
0x155: {  	s30 =	sand.u32 $0x380, s29;
	s18 =	sor.u32 s26, s18;
	[sflag:s14] =	ssyncset.done $0x0  }
0x156: {  	s18 =	sor.u32 s30, s18;
	[sflag:s14] =	ssyncadd.s32 $0xFFFFC000  }
0x157: {  	v0 =	vld [tilespmem:s18+$0x10070]  }
0x158: {  	v5 =	vld [tilespmem:s18+$0x10000]  }
0x159: {  	v6 =	vld [tilespmem:s18+$0x10010]  }
0x15a: {  	v4 =	vld [tilespmem:s18+$0x10020]  }
0x15b: {  	v1 =	vld [tilespmem:s18+$0x10030]  }
0x15c: {  	v3 =	vld [tilespmem:s18+$0x10040]  }
0x15d: {  	s22 =	sor.u32 $0x4070, s18;
	v2 =	vld [tilespmem:s18+$0x10060]  }
0x15e: {  	[tilespmem:s22+$0x0] =	vst.add.f32.msk $0xffff, v0  }
0x15f: {  	s31 =	sor.u32 $0x4000, s18;
	s29 =	sor.u32 $0x4010, s18;
	v0 =	vld [tilespmem:s18+$0x10050]  }
0x160: {  	s26 =	sor.u32 $0x4020, s18;
	s28 =	sor.u32 $0x4030, s18;
	s25 =	sor.u32 $0x4040, s18;
	[tilespmem:s31+$0x0] =	vst.add.f32.msk $0xffff, v5  }
0x161: {  	s23 =	sor.u32 $0x4050, s18;
	s24 =	sor.u32 $0x4060, s18;
	s22 =	simm.s32 $0x0;
	[tilespmem:s29+$0x0] =	vst.add.f32.msk $0xffff, v6  }
.LBB2_16:
0x162: {  	s22 =	sadd.s32 $0x8, s22;
	[tilespmem:s26+$0x0] =	vst.add.f32.msk $0xffff, v4  }
0x163: {  	s9 =	sadd.s32 $0x400, s9;
	s18 =	sshll.u32 s22, $0x4;
	p0 =	slt.u32 s22, $0x3F8;
	[tilespmem:s28+$0x0] =	vst.add.f32.msk $0xffff, v1  }
0x164: {  	s26 =	sand.u32 $0x1C00, s9;
	s28 =	sshll.u32 s22, $0x1;
	s18 =	sand.u32 $0x2000, s18;
	[tilespmem:s25+$0x0] =	vst.add.f32.msk $0xffff, v3  }
0x165: {  	s25 =	sand.u32 $0x380, s28;
	s18 =	sor.u32 s26, s18;
	[tilespmem:s23+$0x0] =	vst.add.f32.msk $0xffff, v0  }
0x166: {  	s18 =	sor.u32 s25, s18;
	[tilespmem:s24+$0x0] =	vst.add.f32.msk $0xffff, v2  }
0x167: {  	s29 =	sor.u32 $0x4000, s18;
	s30 =	sor.u32 $0x4010, s18;
	s26 =	sor.u32 $0x4020, s18;
	v0 =	vld [tilespmem:s18+$0x10070]  }
0x168: {  	s28 =	sor.u32 $0x4030, s18;
	s25 =	sor.u32 $0x4040, s18;
	s23 =	sor.u32 $0x4050, s18;
	v5 =	vld [tilespmem:s18+$0x10000]  }
0x169: {  	s24 =	sor.u32 $0x4060, s18;
	v6 =	vld [tilespmem:s18+$0x10010]  }
0x16a: {  	v4 =	vld [tilespmem:s18+$0x10020]  }
0x16b: {  	s31 =	sor.u32 $0x4070, s18;
	v1 =	vld [tilespmem:s18+$0x10030]  }
0x16c: {  	[tilespmem:s31+$0x0] =	vst.add.f32.msk $0xffff, v0  }
.Ltmp7:
0x16d: {  	v3 =	vld [tilespmem:s18+$0x10040];
	(pc) =	sbr.rel @p0 .LBB2_16-.Ltmp7, $4  }
0x16e: {  	v0 =	vld [tilespmem:s18+$0x10050]  }
0x16f: {  	v2 =	vld [tilespmem:s18+$0x10060]  }
0x170: {  	[tilespmem:s29+$0x0] =	vst.add.f32.msk $0xffff, v5  }
0x171: {  	[tilespmem:s30+$0x0] =	vst.add.f32.msk $0xffff, v6  }
0x172: {  	[tilespmem:s26+$0x0] =	vst.add.f32.msk $0xffff, v4  }
0x173: {  	[tilespmem:s28+$0x0] =	vst.add.f32.msk $0xffff, v1  }
0x174: {  	[tilespmem:s25+$0x0] =	vst.add.f32.msk $0xffff, v3  }
0x175: {  	[tilespmem:s23+$0x0] =	vst.add.f32.msk $0xffff, v0  }
0x176: {  	[tilespmem:s24+$0x0] =	vst.add.f32.msk $0xffff, v2  }
0x177: {  	s9 =	simm.s32 $0x0;
	s18 =	rddreg [dreg:$0x14]  }
0x178: {  	[hbm4b:s18+s9] =	stream.linear.scatter [tilespmem:s10], [sflag:$0x7], $0x4000, $0x38;
	[tilespmem:$0x14000] =	vst v63  }
0x179: {  	_ =	swait.ge [sflag:s15], $0x4000  }
0x17a: {  	[sflag:s15] =	ssyncset.done $0x0  }
0x17b: {  	s25 =	rddreg [dreg:$0x16];
	[sflag:s15] =	ssyncadd.s32 $0xFFFFC000  }
0x17c: {  	[tilespmem:s9], [sflag:$0x1] =	stream.linear.gather [hbm4b:s25+s9], $0x4000, $0x38;
	[tilespmem:$0x14000] =	vst v63  }
0x17d: {  	_ =	swait.ge [sflag:s16], $0x4000  }
0x17e: {  	[sflag:s16] =	ssyncset.done $0x0  }
0x17f: {  	s26 =	simm.s32 $0x0;
	s29 =	simm.s32 $0x0;
	[sflag:s16] =	ssyncadd.s32 $0xFFFFC000  }
0x180: {  	s22 =	sand.u32 $0x1C00, s9;
	s18 =	sand.u32 $0x2000, s26;
	_ =	swait.ge [sflag:s12], $0x4000  }
0x181: {  	s30 =	sand.u32 $0x380, s29;
	s18 =	sor.u32 s22, s18;
	[sflag:s12] =	ssyncset.done $0x0  }
0x182: {  	s18 =	sor.u32 s30, s18;
	[sflag:s12] =	ssyncadd.s32 $0xFFFFC000  }
0x183: {  	v0 =	vld [tilespmem:s18+$0xC070]  }
0x184: {  	v5 =	vld [tilespmem:s18+$0xC000]  }
0x185: {  	v6 =	vld [tilespmem:s18+$0xC010]  }
0x186: {  	v4 =	vld [tilespmem:s18+$0xC020]  }
0x187: {  	v1 =	vld [tilespmem:s18+$0xC030]  }
0x188: {  	v3 =	vld [tilespmem:s18+$0xC040]  }
0x189: {  	s22 =	sor.u32 $0x8070, s18;
	v2 =	vld [tilespmem:s18+$0xC060]  }
0x18a: {  	[tilespmem:s22+$0x0] =	vst.add.f32.msk $0xffff, v0  }
0x18b: {  	s31 =	sor.u32 $0x8000, s18;
	s29 =	sor.u32 $0x8010, s18;
	v0 =	vld [tilespmem:s18+$0xC050]  }
0x18c: {  	s26 =	sor.u32 $0x8020, s18;
	s28 =	sor.u32 $0x8030, s18;
	s23 =	sor.u32 $0x8050, s18;
	[tilespmem:s31+$0x0] =	vst.add.f32.msk $0xffff, v5  }
0x18d: {  	s24 =	sor.u32 $0x8060, s18;
	s25 =	sor.u32 $0x8040, s18;
	s22 =	simm.s32 $0x0;
	[tilespmem:s29+$0x0] =	vst.add.f32.msk $0xffff, v6  }
.LBB2_18:
0x18e: {  	s22 =	sadd.s32 $0x8, s22;
	[tilespmem:s26+$0x0] =	vst.add.f32.msk $0xffff, v4  }
0x18f: {  	s9 =	sadd.s32 $0x400, s9;
	s18 =	sshll.u32 s22, $0x4;
	p0 =	slt.u32 s22, $0x3F8;
	[tilespmem:s28+$0x0] =	vst.add.f32.msk $0xffff, v1  }
0x190: {  	s26 =	sand.u32 $0x1C00, s9;
	s28 =	sshll.u32 s22, $0x1;
	s18 =	sand.u32 $0x2000, s18;
	[tilespmem:s25+$0x0] =	vst.add.f32.msk $0xffff, v3  }
0x191: {  	s25 =	sand.u32 $0x380, s28;
	s18 =	sor.u32 s26, s18;
	[tilespmem:s23+$0x0] =	vst.add.f32.msk $0xffff, v0  }
0x192: {  	s18 =	sor.u32 s25, s18;
	[tilespmem:s24+$0x0] =	vst.add.f32.msk $0xffff, v2  }
0x193: {  	s29 =	sor.u32 $0x8000, s18;
	s30 =	sor.u32 $0x8010, s18;
	s26 =	sor.u32 $0x8020, s18;
	v0 =	vld [tilespmem:s18+$0xC070]  }
0x194: {  	s28 =	sor.u32 $0x8030, s18;
	s25 =	sor.u32 $0x8040, s18;
	s23 =	sor.u32 $0x8050, s18;
	v5 =	vld [tilespmem:s18+$0xC000]  }
0x195: {  	s24 =	sor.u32 $0x8060, s18;
	v6 =	vld [tilespmem:s18+$0xC010]  }
0x196: {  	v4 =	vld [tilespmem:s18+$0xC020]  }
0x197: {  	s31 =	sor.u32 $0x8070, s18;
	v1 =	vld [tilespmem:s18+$0xC030]  }
0x198: {  	[tilespmem:s31+$0x0] =	vst.add.f32.msk $0xffff, v0  }
.Ltmp8:
0x199: {  	v3 =	vld [tilespmem:s18+$0xC040];
	(pc) =	sbr.rel @p0 .LBB2_18-.Ltmp8, $4  }
0x19a: {  	v0 =	vld [tilespmem:s18+$0xC050]  }
0x19b: {  	v2 =	vld [tilespmem:s18+$0xC060]  }
0x19c: {  	[tilespmem:s29+$0x0] =	vst.add.f32.msk $0xffff, v5  }
0x19d: {  	[tilespmem:s30+$0x0] =	vst.add.f32.msk $0xffff, v6  }
0x19e: {  	[tilespmem:s26+$0x0] =	vst.add.f32.msk $0xffff, v4  }
0x19f: {  	[tilespmem:s28+$0x0] =	vst.add.f32.msk $0xffff, v1  }
0x1a0: {  	[tilespmem:s25+$0x0] =	vst.add.f32.msk $0xffff, v3  }
0x1a1: {  	[tilespmem:s23+$0x0] =	vst.add.f32.msk $0xffff, v0  }
0x1a2: {  	[tilespmem:s24+$0x0] =	vst.add.f32.msk $0xffff, v2  }
0x1a3: {  	s9 =	simm.s32 $0x0;
	s18 =	rddreg [dreg:$0x15]  }
0x1a4: {  	[hbm4b:s18+s9] =	stream.linear.scatter [tilespmem:s13], [sflag:$0x8], $0x4000, $0x38;
	[tilespmem:$0x14000] =	vst v63  }
0x1a5: {  	_ =	swait.ge [sflag:s17], $0x4000  }
0x1a6: {  	s29 =	simm.s32 $0x0;
	[sflag:s17] =	ssyncset.done $0x0  }
0x1a7: {  	s30 =	simm.s32 $0x0;
	s26 =	rddreg [dreg:$0x18];
	[sflag:s17] =	ssyncadd.s32 $0xFFFFC000  }
0x1a8: {  	[tilespmem:s10], [sflag:$0x2] =	stream.linear.gather [hbm4b:s26+s9], $0x4000, $0x38;
	[tilespmem:$0x14000] =	vst v63  }
0x1a9: {  	s22 =	sand.u32 $0x1C00, s9;
	s18 =	sand.u32 $0x2000, s29;
	_ =	swait.ge [sflag:s11], $0x4000  }
0x1aa: {  	s31 =	sand.u32 $0x380, s30;
	s18 =	sor.u32 s22, s18;
	[sflag:s11] =	ssyncset.done $0x0  }
0x1ab: {  	s18 =	sor.u32 s31, s18;
	[sflag:s11] =	ssyncadd.s32 $0xFFFFC000  }
0x1ac: {  	v0 =	vld [tilespmem:s18+$0xC070]  }
0x1ad: {  	v5 =	vld [tilespmem:s18+$0xC000]  }
0x1ae: {  	v6 =	vld [tilespmem:s18+$0xC010]  }
0x1af: {  	v4 =	vld [tilespmem:s18+$0xC020]  }
0x1b0: {  	v2 =	vld [tilespmem:s18+$0xC030]  }
0x1b1: {  	v3 =	vld [tilespmem:s18+$0xC040]  }
0x1b2: {  	s22 =	sor.u32 $0x70, s18;
	v1 =	vld [tilespmem:s18+$0xC060]  }
0x1b3: {  	[tilespmem:s22+$0x0] =	vst.add.f32.msk $0xffff, v0  }
0x1b4: {  	s29 =	sor.u32 $0x10, s18;
	v0 =	vld [tilespmem:s18+$0xC050]  }
0x1b5: {  	s28 =	sor.u32 $0x20, s18;
	s25 =	sor.u32 $0x40, s18;
	s24 =	sor.u32 $0x50, s18;
	[tilespmem:s18+$0x0] =	vst.add.f32.msk $0xffff, v5  }
0x1b6: {  	s23 =	sor.u32 $0x60, s18;
	s26 =	sor.u32 $0x30, s18;
	s22 =	simm.s32 $0x0;
	[tilespmem:s29+$0x0] =	vst.add.f32.msk $0xffff, v6  }
.LBB2_20:
0x1b7: {  	s22 =	sadd.s32 $0x8, s22;
	[tilespmem:s28+$0x0] =	vst.add.f32.msk $0xffff, v4  }
0x1b8: {  	s9 =	sadd.s32 $0x400, s9;
	s18 =	sshll.u32 s22, $0x4;
	p0 =	slt.u32 s22, $0x3F8;
	[tilespmem:s26+$0x0] =	vst.add.f32.msk $0xffff, v2  }
0x1b9: {  	s26 =	sand.u32 $0x1C00, s9;
	s28 =	sshll.u32 s22, $0x1;
	s18 =	sand.u32 $0x2000, s18;
	[tilespmem:s25+$0x0] =	vst.add.f32.msk $0xffff, v3  }
0x1ba: {  	s25 =	sand.u32 $0x380, s28;
	s18 =	sor.u32 s26, s18;
	[tilespmem:s24+$0x0] =	vst.add.f32.msk $0xffff, v0  }
0x1bb: {  	s18 =	sor.u32 s25, s18;
	[tilespmem:s23+$0x0] =	vst.add.f32.msk $0xffff, v1  }
0x1bc: {  	s29 =	sor.u32 $0x10, s18;
	s28 =	sor.u32 $0x20, s18;
	s26 =	sor.u32 $0x30, s18;
	v0 =	vld [tilespmem:s18+$0xC070]  }
0x1bd: {  	s25 =	sor.u32 $0x40, s18;
	s24 =	sor.u32 $0x50, s18;
	s23 =	sor.u32 $0x60, s18;
	v5 =	vld [tilespmem:s18+$0xC000]  }
0x1be: {  	v6 =	vld [tilespmem:s18+$0xC010]  }
0x1bf: {  	v4 =	vld [tilespmem:s18+$0xC020]  }
0x1c0: {  	s30 =	sor.u32 $0x70, s18;
	v2 =	vld [tilespmem:s18+$0xC030]  }
0x1c1: {  	[tilespmem:s30+$0x0] =	vst.add.f32.msk $0xffff, v0  }
.Ltmp9:
0x1c2: {  	v3 =	vld [tilespmem:s18+$0xC040];
	(pc) =	sbr.rel @p0 .LBB2_20-.Ltmp9, $4  }
0x1c3: {  	v0 =	vld [tilespmem:s18+$0xC050]  }
0x1c4: {  	v1 =	vld [tilespmem:s18+$0xC060]  }
0x1c5: {  	[tilespmem:s18+$0x0] =	vst.add.f32.msk $0xffff, v5  }
0x1c6: {  	[tilespmem:s29+$0x0] =	vst.add.f32.msk $0xffff, v6  }
0x1c7: {  	[tilespmem:s28+$0x0] =	vst.add.f32.msk $0xffff, v4  }
0x1c8: {  	[tilespmem:s26+$0x0] =	vst.add.f32.msk $0xffff, v2  }
0x1c9: {  	[tilespmem:s25+$0x0] =	vst.add.f32.msk $0xffff, v3  }
0x1ca: {  	[tilespmem:s24+$0x0] =	vst.add.f32.msk $0xffff, v0  }
0x1cb: {  	[tilespmem:s23+$0x0] =	vst.add.f32.msk $0xffff, v1  }
0x1cc: {  	s9 =	simm.s32 $0x0;
	s18 =	rddreg [dreg:$0x17]  }
0x1cd: {  	[hbm4b:s18+s9] =	stream.linear.scatter [tilespmem:s9], [sflag:$0x6], $0x4000, $0x38;
	[tilespmem:$0x14000] =	vst v63  }
0x1ce: {  	_ =	swait.ge [sflag:s19], $0x4000  }
0x1cf: {  	s26 =	simm.s32 $0x0;
	[sflag:s19] =	ssyncset.done $0x0  }
0x1d0: {  	s29 =	simm.s32 $0x0;
	s25 =	rddreg [dreg:$0x1c];
	[sflag:s19] =	ssyncadd.s32 $0xFFFFC000  }
0x1d1: {  	[tilespmem:s13], [sflag:$0x3] =	stream.linear.gather [hbm4b:s25+s9], $0x4000, $0x38;
	[tilespmem:$0x14000] =	vst v63  }
0x1d2: {  	s22 =	sand.u32 $0x1C00, s9;
	s18 =	sand.u32 $0x2000, s26;
	_ =	swait.ge [sflag:s14], $0x4000  }
0x1d3: {  	s30 =	sand.u32 $0x380, s29;
	s18 =	sor.u32 s22, s18;
	[sflag:s14] =	ssyncset.done $0x0  }
0x1d4: {  	s18 =	sor.u32 s30, s18;
	[sflag:s14] =	ssyncadd.s32 $0xFFFFC000  }
0x1d5: {  	v0 =	vld [tilespmem:s18+$0xC070]  }
0x1d6: {  	v5 =	vld [tilespmem:s18+$0xC000]  }
0x1d7: {  	v6 =	vld [tilespmem:s18+$0xC010]  }
0x1d8: {  	v4 =	vld [tilespmem:s18+$0xC020]  }
0x1d9: {  	v1 =	vld [tilespmem:s18+$0xC030]  }
0x1da: {  	v3 =	vld [tilespmem:s18+$0xC040]  }
0x1db: {  	s22 =	sor.u32 $0x4070, s18;
	v2 =	vld [tilespmem:s18+$0xC060]  }
0x1dc: {  	[tilespmem:s22+$0x0] =	vst.add.f32.msk $0xffff, v0  }
0x1dd: {  	s31 =	sor.u32 $0x4000, s18;
	s29 =	sor.u32 $0x4010, s18;
	v0 =	vld [tilespmem:s18+$0xC050]  }
0x1de: {  	s26 =	sor.u32 $0x4020, s18;
	s28 =	sor.u32 $0x4030, s18;
	s23 =	sor.u32 $0x4050, s18;
	[tilespmem:s31+$0x0] =	vst.add.f32.msk $0xffff, v5  }
0x1df: {  	s24 =	sor.u32 $0x4060, s18;
	s25 =	sor.u32 $0x4040, s18;
	s22 =	simm.s32 $0x0;
	[tilespmem:s29+$0x0] =	vst.add.f32.msk $0xffff, v6  }
.LBB2_22:
0x1e0: {  	s22 =	sadd.s32 $0x8, s22;
	[tilespmem:s26+$0x0] =	vst.add.f32.msk $0xffff, v4  }
0x1e1: {  	s9 =	sadd.s32 $0x400, s9;
	s18 =	sshll.u32 s22, $0x4;
	p0 =	slt.u32 s22, $0x3F8;
	[tilespmem:s28+$0x0] =	vst.add.f32.msk $0xffff, v1  }
0x1e2: {  	s26 =	sand.u32 $0x1C00, s9;
	s28 =	sshll.u32 s22, $0x1;
	s18 =	sand.u32 $0x2000, s18;
	[tilespmem:s25+$0x0] =	vst.add.f32.msk $0xffff, v3  }
0x1e3: {  	s25 =	sand.u32 $0x380, s28;
	s18 =	sor.u32 s26, s18;
	[tilespmem:s23+$0x0] =	vst.add.f32.msk $0xffff, v0  }
0x1e4: {  	s18 =	sor.u32 s25, s18;
	[tilespmem:s24+$0x0] =	vst.add.f32.msk $0xffff, v2  }
0x1e5: {  	s29 =	sor.u32 $0x4000, s18;
	s30 =	sor.u32 $0x4010, s18;
	s26 =	sor.u32 $0x4020, s18;
	v0 =	vld [tilespmem:s18+$0xC070]  }
0x1e6: {  	s28 =	sor.u32 $0x4030, s18;
	s25 =	sor.u32 $0x4040, s18;
	s23 =	sor.u32 $0x4050, s18;
	v5 =	vld [tilespmem:s18+$0xC000]  }
0x1e7: {  	s24 =	sor.u32 $0x4060, s18;
	v6 =	vld [tilespmem:s18+$0xC010]  }
0x1e8: {  	v4 =	vld [tilespmem:s18+$0xC020]  }
0x1e9: {  	s31 =	sor.u32 $0x4070, s18;
	v1 =	vld [tilespmem:s18+$0xC030]  }
0x1ea: {  	[tilespmem:s31+$0x0] =	vst.add.f32.msk $0xffff, v0  }
.Ltmp10:
0x1eb: {  	v3 =	vld [tilespmem:s18+$0xC040];
	(pc) =	sbr.rel @p0 .LBB2_22-.Ltmp10, $4  }
0x1ec: {  	v0 =	vld [tilespmem:s18+$0xC050]  }
0x1ed: {  	v2 =	vld [tilespmem:s18+$0xC060]  }
0x1ee: {  	[tilespmem:s29+$0x0] =	vst.add.f32.msk $0xffff, v5  }
0x1ef: {  	[tilespmem:s30+$0x0] =	vst.add.f32.msk $0xffff, v6  }
0x1f0: {  	[tilespmem:s26+$0x0] =	vst.add.f32.msk $0xffff, v4  }
0x1f1: {  	[tilespmem:s28+$0x0] =	vst.add.f32.msk $0xffff, v1  }
0x1f2: {  	[tilespmem:s25+$0x0] =	vst.add.f32.msk $0xffff, v3  }
0x1f3: {  	[tilespmem:s23+$0x0] =	vst.add.f32.msk $0xffff, v0  }
0x1f4: {  	[tilespmem:s24+$0x0] =	vst.add.f32.msk $0xffff, v2  }
0x1f5: {  	s9 =	simm.s32 $0x0;
	s18 =	rddreg [dreg:$0x19]  }
0x1f6: {  	[hbm4b:s18+s9] =	stream.linear.scatter [tilespmem:s10], [sflag:$0x7], $0x4000, $0x38;
	[tilespmem:$0x14000] =	vst v63  }
0x1f7: {  	_ =	swait.ge [sflag:s15], $0x4000  }
0x1f8: {  	[sflag:s15] =	ssyncset.done $0x0  }
0x1f9: {  	s22 =	simm.s32 $0x10000;
	s23 =	rddreg [dreg:$0x1e];
	[sflag:s15] =	ssyncadd.s32 $0xFFFFC000  }
0x1fa: {  	[tilespmem:s9], [sflag:$0x1] =	stream.linear.gather [hbm4b:s23+s9], $0x4000, $0x38;
	[tilespmem:$0x14000] =	vst v63  }
0x1fb: {  	s25 =	simm.s32 $0x0;
	s29 =	simm.s32 $0x0;
	s24 =	rddreg [dreg:$0x1b]  }
0x1fc: {  	[tilespmem:s22], [sflag:$0x5] =	stream.linear.gather [hbm4b:s24+s9], $0x4000, $0x38;
	[tilespmem:$0x14000] =	vst v63  }
0x1fd: {  	s26 =	sand.u32 $0x1C00, s9;
	s18 =	sand.u32 $0x2000, s25;
	_ =	swait.ge [sflag:s16], $0x4000  }
0x1fe: {  	s30 =	sand.u32 $0x380, s29;
	s18 =	sor.u32 s26, s18;
	[sflag:s16] =	ssyncset.done $0x0  }
0x1ff: {  	s18 =	sor.u32 s30, s18;
	[sflag:s16] =	ssyncadd.s32 $0xFFFFC000  }
0x200: {  	v0 =	vld [tilespmem:s18+$0xC070]  }
0x201: {  	v5 =	vld [tilespmem:s18+$0xC000]  }
0x202: {  	v6 =	vld [tilespmem:s18+$0xC010]  }
0x203: {  	v4 =	vld [tilespmem:s18+$0xC020]  }
0x204: {  	v1 =	vld [tilespmem:s18+$0xC030]  }
0x205: {  	v3 =	vld [tilespmem:s18+$0xC040]  }
0x206: {  	s22 =	sor.u32 $0x8070, s18;
	v2 =	vld [tilespmem:s18+$0xC060]  }
0x207: {  	[tilespmem:s22+$0x0] =	vst.add.f32.msk $0xffff, v0  }
0x208: {  	s31 =	sor.u32 $0x8000, s18;
	s29 =	sor.u32 $0x8010, s18;
	v0 =	vld [tilespmem:s18+$0xC050]  }
0x209: {  	s26 =	sor.u32 $0x8020, s18;
	s28 =	sor.u32 $0x8030, s18;
	s25 =	sor.u32 $0x8040, s18;
	[tilespmem:s31+$0x0] =	vst.add.f32.msk $0xffff, v5  }
0x20a: {  	s23 =	sor.u32 $0x8050, s18;
	s24 =	sor.u32 $0x8060, s18;
	s22 =	simm.s32 $0x0;
	[tilespmem:s29+$0x0] =	vst.add.f32.msk $0xffff, v6  }
.LBB2_24:
0x20b: {  	s22 =	sadd.s32 $0x8, s22;
	[tilespmem:s26+$0x0] =	vst.add.f32.msk $0xffff, v4  }
0x20c: {  	s9 =	sadd.s32 $0x400, s9;
	s18 =	sshll.u32 s22, $0x4;
	p0 =	slt.u32 s22, $0x3F8;
	[tilespmem:s28+$0x0] =	vst.add.f32.msk $0xffff, v1  }
0x20d: {  	s26 =	sand.u32 $0x1C00, s9;
	s28 =	sshll.u32 s22, $0x1;
	s18 =	sand.u32 $0x2000, s18;
	[tilespmem:s25+$0x0] =	vst.add.f32.msk $0xffff, v3  }
0x20e: {  	s25 =	sand.u32 $0x380, s28;
	s18 =	sor.u32 s26, s18;
	[tilespmem:s23+$0x0] =	vst.add.f32.msk $0xffff, v0  }
0x20f: {  	s18 =	sor.u32 s25, s18;
	[tilespmem:s24+$0x0] =	vst.add.f32.msk $0xffff, v2  }
0x210: {  	s29 =	sor.u32 $0x8000, s18;
	s30 =	sor.u32 $0x8010, s18;
	s26 =	sor.u32 $0x8020, s18;
	v0 =	vld [tilespmem:s18+$0xC070]  }
0x211: {  	s28 =	sor.u32 $0x8030, s18;
	s25 =	sor.u32 $0x8040, s18;
	s23 =	sor.u32 $0x8050, s18;
	v5 =	vld [tilespmem:s18+$0xC000]  }
0x212: {  	s24 =	sor.u32 $0x8060, s18;
	v6 =	vld [tilespmem:s18+$0xC010]  }
0x213: {  	v4 =	vld [tilespmem:s18+$0xC020]  }
0x214: {  	s31 =	sor.u32 $0x8070, s18;
	v1 =	vld [tilespmem:s18+$0xC030]  }
0x215: {  	[tilespmem:s31+$0x0] =	vst.add.f32.msk $0xffff, v0  }
.Ltmp11:
0x216: {  	v3 =	vld [tilespmem:s18+$0xC040];
	(pc) =	sbr.rel @p0 .LBB2_24-.Ltmp11, $4  }
0x217: {  	v0 =	vld [tilespmem:s18+$0xC050]  }
0x218: {  	v2 =	vld [tilespmem:s18+$0xC060]  }
0x219: {  	[tilespmem:s29+$0x0] =	vst.add.f32.msk $0xffff, v5  }
0x21a: {  	[tilespmem:s30+$0x0] =	vst.add.f32.msk $0xffff, v6  }
0x21b: {  	[tilespmem:s26+$0x0] =	vst.add.f32.msk $0xffff, v4  }
0x21c: {  	[tilespmem:s28+$0x0] =	vst.add.f32.msk $0xffff, v1  }
0x21d: {  	[tilespmem:s25+$0x0] =	vst.add.f32.msk $0xffff, v3  }
0x21e: {  	[tilespmem:s23+$0x0] =	vst.add.f32.msk $0xffff, v0  }
0x21f: {  	[tilespmem:s24+$0x0] =	vst.add.f32.msk $0xffff, v2  }
0x220: {  	s9 =	simm.s32 $0x0;
	s18 =	rddreg [dreg:$0x1d]  }
0x221: {  	[hbm4b:s18+s9] =	stream.linear.scatter [tilespmem:s13], [sflag:$0x8], $0x4000, $0x38;
	[tilespmem:$0x14000] =	vst v63  }
0x222: {  	_ =	swait.ge [sflag:s17], $0x4000  }
0x223: {  	[sflag:s17] =	ssyncset.done $0x0  }
0x224: {  	[sflag:s17] =	ssyncadd.s32 $0xFFFFC000  }
0x225: {  	[tilespmem:s10], [sflag:$0x2] =	stream.linear.gather [hbm4b:s2+s9], $0x4000, $0x38;
	[tilespmem:$0x14000] =	vst v63  }
0x226: {  	_ =	swait.ge [sflag:s11], $0x4000  }
0x227: {  	[sflag:s11] =	ssyncset.done $0x0  }
0x228: {  	s29 =	simm.s32 $0x0;
	s30 =	simm.s32 $0x0;
	[sflag:s11] =	ssyncadd.s32 $0xFFFFC000  }
0x229: {  	s22 =	sand.u32 $0x1C00, s9;
	s18 =	sand.u32 $0x2000, s29;
	_ =	swait.ge [sflag:s20], $0x4000  }
0x22a: {  	s31 =	sand.u32 $0x380, s30;
	s18 =	sor.u32 s22, s18;
	[sflag:s20] =	ssyncset.done $0x0  }
0x22b: {  	s18 =	sor.u32 s31, s18;
	[sflag:s20] =	ssyncadd.s32 $0xFFFFC000  }
0x22c: {  	v0 =	vld [tilespmem:s18+$0x10070]  }
0x22d: {  	v5 =	vld [tilespmem:s18+$0x10000]  }
0x22e: {  	v6 =	vld [tilespmem:s18+$0x10010]  }
0x22f: {  	v4 =	vld [tilespmem:s18+$0x10020]  }
0x230: {  	v2 =	vld [tilespmem:s18+$0x10030]  }
0x231: {  	v3 =	vld [tilespmem:s18+$0x10040]  }
0x232: {  	s22 =	sor.u32 $0x70, s18;
	v1 =	vld [tilespmem:s18+$0x10060]  }
0x233: {  	[tilespmem:s22+$0x0] =	vst.add.f32.msk $0xffff, v0  }
0x234: {  	s29 =	sor.u32 $0x10, s18;
	v0 =	vld [tilespmem:s18+$0x10050]  }
0x235: {  	s28 =	sor.u32 $0x20, s18;
	s26 =	sor.u32 $0x30, s18;
	s25 =	sor.u32 $0x40, s18;
	[tilespmem:s18+$0x0] =	vst.add.f32.msk $0xffff, v5  }
0x236: {  	s24 =	sor.u32 $0x50, s18;
	s23 =	sor.u32 $0x60, s18;
	s22 =	simm.s32 $0x0;
	[tilespmem:s29+$0x0] =	vst.add.f32.msk $0xffff, v6  }
.LBB2_26:
0x237: {  	s22 =	sadd.s32 $0x8, s22;
	[tilespmem:s28+$0x0] =	vst.add.f32.msk $0xffff, v4  }
0x238: {  	s9 =	sadd.s32 $0x400, s9;
	s18 =	sshll.u32 s22, $0x4;
	p0 =	slt.u32 s22, $0x3F8;
	[tilespmem:s26+$0x0] =	vst.add.f32.msk $0xffff, v2  }
0x239: {  	s26 =	sand.u32 $0x1C00, s9;
	s28 =	sshll.u32 s22, $0x1;
	s18 =	sand.u32 $0x2000, s18;
	[tilespmem:s25+$0x0] =	vst.add.f32.msk $0xffff, v3  }
0x23a: {  	s25 =	sand.u32 $0x380, s28;
	s18 =	sor.u32 s26, s18;
	[tilespmem:s24+$0x0] =	vst.add.f32.msk $0xffff, v0  }
0x23b: {  	s18 =	sor.u32 s25, s18;
	[tilespmem:s23+$0x0] =	vst.add.f32.msk $0xffff, v1  }
0x23c: {  	s29 =	sor.u32 $0x10, s18;
	s28 =	sor.u32 $0x20, s18;
	s26 =	sor.u32 $0x30, s18;
	v0 =	vld [tilespmem:s18+$0x10070]  }
0x23d: {  	s25 =	sor.u32 $0x40, s18;
	s24 =	sor.u32 $0x50, s18;
	s23 =	sor.u32 $0x60, s18;
	v5 =	vld [tilespmem:s18+$0x10000]  }
0x23e: {  	v6 =	vld [tilespmem:s18+$0x10010]  }
0x23f: {  	v4 =	vld [tilespmem:s18+$0x10020]  }
0x240: {  	s30 =	sor.u32 $0x70, s18;
	v2 =	vld [tilespmem:s18+$0x10030]  }
0x241: {  	[tilespmem:s30+$0x0] =	vst.add.f32.msk $0xffff, v0  }
.Ltmp12:
0x242: {  	v3 =	vld [tilespmem:s18+$0x10040];
	(pc) =	sbr.rel @p0 .LBB2_26-.Ltmp12, $4  }
0x243: {  	v0 =	vld [tilespmem:s18+$0x10050]  }
0x244: {  	v1 =	vld [tilespmem:s18+$0x10060]  }
0x245: {  	[tilespmem:s18+$0x0] =	vst.add.f32.msk $0xffff, v5  }
0x246: {  	[tilespmem:s29+$0x0] =	vst.add.f32.msk $0xffff, v6  }
0x247: {  	[tilespmem:s28+$0x0] =	vst.add.f32.msk $0xffff, v4  }
0x248: {  	[tilespmem:s26+$0x0] =	vst.add.f32.msk $0xffff, v2  }
0x249: {  	[tilespmem:s25+$0x0] =	vst.add.f32.msk $0xffff, v3  }
0x24a: {  	[tilespmem:s24+$0x0] =	vst.add.f32.msk $0xffff, v0  }
0x24b: {  	[tilespmem:s23+$0x0] =	vst.add.f32.msk $0xffff, v1  }
0x24c: {  	s9 =	simm.s32 $0x0;
	s18 =	rddreg [dreg:$0x1f]  }
0x24d: {  	[hbm4b:s18+s9] =	stream.linear.scatter [tilespmem:s9], [sflag:$0x6], $0x4000, $0x38;
	[tilespmem:$0x14000] =	vst v63  }
0x24e: {  	_ =	swait.ge [sflag:s19], $0x4000  }
0x24f: {  	[sflag:s19] =	ssyncset.done $0x0  }
0x250: {  	s26 =	simm.s32 $0x0;
	s29 =	simm.s32 $0x0;
	[sflag:s19] =	ssyncadd.s32 $0xFFFFC000  }
0x251: {  	[tilespmem:s13], [sflag:$0x3] =	stream.linear.gather [hbm4b:s4+s9], $0x4000, $0x38;
	[tilespmem:$0x14000] =	vst v63  }
0x252: {  	s22 =	sand.u32 $0x1C00, s9;
	s18 =	sand.u32 $0x2000, s26;
	_ =	swait.ge [sflag:s14], $0x4000  }
0x253: {  	s30 =	sand.u32 $0x380, s29;
	s18 =	sor.u32 s22, s18;
	[sflag:s14] =	ssyncset.done $0x0  }
0x254: {  	s18 =	sor.u32 s30, s18;
	[sflag:s14] =	ssyncadd.s32 $0xFFFFC000  }
0x255: {  	v0 =	vld [tilespmem:s18+$0x10070]  }
0x256: {  	v5 =	vld [tilespmem:s18+$0x10000]  }
0x257: {  	v6 =	vld [tilespmem:s18+$0x10010]  }
0x258: {  	v4 =	vld [tilespmem:s18+$0x10020]  }
0x259: {  	v1 =	vld [tilespmem:s18+$0x10030]  }
0x25a: {  	v3 =	vld [tilespmem:s18+$0x10040]  }
0x25b: {  	s22 =	sor.u32 $0x4070, s18;
	v2 =	vld [tilespmem:s18+$0x10060]  }
0x25c: {  	[tilespmem:s22+$0x0] =	vst.add.f32.msk $0xffff, v0  }
0x25d: {  	s31 =	sor.u32 $0x4000, s18;
	s29 =	sor.u32 $0x4010, s18;
	v0 =	vld [tilespmem:s18+$0x10050]  }
0x25e: {  	s26 =	sor.u32 $0x4020, s18;
	s28 =	sor.u32 $0x4030, s18;
	s25 =	sor.u32 $0x4040, s18;
	[tilespmem:s31+$0x0] =	vst.add.f32.msk $0xffff, v5  }
0x25f: {  	s23 =	sor.u32 $0x4050, s18;
	s24 =	sor.u32 $0x4060, s18;
	s22 =	simm.s32 $0x0;
	[tilespmem:s29+$0x0] =	vst.add.f32.msk $0xffff, v6  }
.LBB2_28:
0x260: {  	s22 =	sadd.s32 $0x8, s22;
	[tilespmem:s26+$0x0] =	vst.add.f32.msk $0xffff, v4  }
0x261: {  	s9 =	sadd.s32 $0x400, s9;
	s18 =	sshll.u32 s22, $0x4;
	p0 =	slt.u32 s22, $0x3F8;
	[tilespmem:s28+$0x0] =	vst.add.f32.msk $0xffff, v1  }
0x262: {  	s26 =	sand.u32 $0x1C00, s9;
	s28 =	sshll.u32 s22, $0x1;
	s18 =	sand.u32 $0x2000, s18;
	[tilespmem:s25+$0x0] =	vst.add.f32.msk $0xffff, v3  }
0x263: {  	s25 =	sand.u32 $0x380, s28;
	s18 =	sor.u32 s26, s18;
	[tilespmem:s23+$0x0] =	vst.add.f32.msk $0xffff, v0  }
0x264: {  	s18 =	sor.u32 s25, s18;
	[tilespmem:s24+$0x0] =	vst.add.f32.msk $0xffff, v2  }
0x265: {  	s29 =	sor.u32 $0x4000, s18;
	s30 =	sor.u32 $0x4010, s18;
	s26 =	sor.u32 $0x4020, s18;
	v0 =	vld [tilespmem:s18+$0x10070]  }
0x266: {  	s28 =	sor.u32 $0x4030, s18;
	s25 =	sor.u32 $0x4040, s18;
	s23 =	sor.u32 $0x4050, s18;
	v5 =	vld [tilespmem:s18+$0x10000]  }
0x267: {  	s24 =	sor.u32 $0x4060, s18;
	v6 =	vld [tilespmem:s18+$0x10010]  }
0x268: {  	v4 =	vld [tilespmem:s18+$0x10020]  }
0x269: {  	s31 =	sor.u32 $0x4070, s18;
	v1 =	vld [tilespmem:s18+$0x10030]  }
0x26a: {  	[tilespmem:s31+$0x0] =	vst.add.f32.msk $0xffff, v0  }
.Ltmp13:
0x26b: {  	v3 =	vld [tilespmem:s18+$0x10040];
	(pc) =	sbr.rel @p0 .LBB2_28-.Ltmp13, $4  }
0x26c: {  	v0 =	vld [tilespmem:s18+$0x10050]  }
0x26d: {  	v2 =	vld [tilespmem:s18+$0x10060]  }
0x26e: {  	[tilespmem:s29+$0x0] =	vst.add.f32.msk $0xffff, v5  }
0x26f: {  	[tilespmem:s30+$0x0] =	vst.add.f32.msk $0xffff, v6  }
0x270: {  	[tilespmem:s26+$0x0] =	vst.add.f32.msk $0xffff, v4  }
0x271: {  	[tilespmem:s28+$0x0] =	vst.add.f32.msk $0xffff, v1  }
0x272: {  	[tilespmem:s25+$0x0] =	vst.add.f32.msk $0xffff, v3  }
0x273: {  	[tilespmem:s23+$0x0] =	vst.add.f32.msk $0xffff, v0  }
0x274: {  	s9 =	simm.s32 $0x0;
	[tilespmem:s24+$0x0] =	vst.add.f32.msk $0xffff, v2  }
0x275: {  	[hbm4b:s3+s9] =	stream.linear.scatter [tilespmem:s10], [sflag:$0x7], $0x4000, $0x38;
	[tilespmem:$0x14000] =	vst v63  }
0x276: {  	_ =	swait.ge [sflag:s15], $0x4000  }
0x277: {  	[sflag:s15] =	ssyncset.done $0x0  }
0x278: {  	s18 =	simm.s32 $0x0;
	s29 =	simm.s32 $0x0;
	[sflag:s15] =	ssyncadd.s32 $0xFFFFC000  }
0x279: {  	[tilespmem:s9], [sflag:$0x1] =	stream.linear.gather [hbm4b:s5+s9], $0x4000, $0x38;
	[tilespmem:$0x14000] =	vst v63  }
0x27a: {  	s18 =	sand.u32 $0x2000, s18;
	s22 =	sand.u32 $0x1C00, s9;
	_ =	swait.ge [sflag:s16], $0x4000  }
0x27b: {  	s30 =	sand.u32 $0x380, s29;
	s18 =	sor.u32 s22, s18;
	[sflag:s16] =	ssyncset.done $0x0  }
0x27c: {  	s18 =	sor.u32 s30, s18;
	[sflag:s16] =	ssyncadd.s32 $0xFFFFC000  }
0x27d: {  	v0 =	vld [tilespmem:s18+$0x10070]  }
0x27e: {  	v5 =	vld [tilespmem:s18+$0x10000]  }
0x27f: {  	v6 =	vld [tilespmem:s18+$0x10010]  }
0x280: {  	v4 =	vld [tilespmem:s18+$0x10020]  }
0x281: {  	v1 =	vld [tilespmem:s18+$0x10030]  }
0x282: {  	v3 =	vld [tilespmem:s18+$0x10040]  }
0x283: {  	s22 =	sor.u32 $0x8070, s18;
	v2 =	vld [tilespmem:s18+$0x10060]  }
0x284: {  	[tilespmem:s22+$0x0] =	vst.add.f32.msk $0xffff, v0  }
0x285: {  	s31 =	sor.u32 $0x8000, s18;
	s29 =	sor.u32 $0x8010, s18;
	v0 =	vld [tilespmem:s18+$0x10050]  }
0x286: {  	s26 =	sor.u32 $0x8020, s18;
	s28 =	sor.u32 $0x8030, s18;
	s25 =	sor.u32 $0x8040, s18;
	[tilespmem:s31+$0x0] =	vst.add.f32.msk $0xffff, v5  }
0x287: {  	s23 =	sor.u32 $0x8050, s18;
	s24 =	sor.u32 $0x8060, s18;
	s22 =	simm.s32 $0x0;
	[tilespmem:s29+$0x0] =	vst.add.f32.msk $0xffff, v6  }
.LBB2_30:
0x288: {  	s22 =	sadd.s32 $0x8, s22;
	[tilespmem:s26+$0x0] =	vst.add.f32.msk $0xffff, v4  }
0x289: {  	s9 =	sadd.s32 $0x400, s9;
	s18 =	sshll.u32 s22, $0x4;
	p0 =	slt.u32 s22, $0x3F8;
	[tilespmem:s28+$0x0] =	vst.add.f32.msk $0xffff, v1  }
0x28a: {  	s26 =	sand.u32 $0x1C00, s9;
	s28 =	sshll.u32 s22, $0x1;
	s18 =	sand.u32 $0x2000, s18;
	[tilespmem:s25+$0x0] =	vst.add.f32.msk $0xffff, v3  }
0x28b: {  	s25 =	sand.u32 $0x380, s28;
	s18 =	sor.u32 s26, s18;
	[tilespmem:s23+$0x0] =	vst.add.f32.msk $0xffff, v0  }
0x28c: {  	s18 =	sor.u32 s25, s18;
	[tilespmem:s24+$0x0] =	vst.add.f32.msk $0xffff, v2  }
0x28d: {  	s29 =	sor.u32 $0x8000, s18;
	s30 =	sor.u32 $0x8010, s18;
	s26 =	sor.u32 $0x8020, s18;
	v0 =	vld [tilespmem:s18+$0x10070]  }
0x28e: {  	s28 =	sor.u32 $0x8030, s18;
	s25 =	sor.u32 $0x8040, s18;
	s23 =	sor.u32 $0x8050, s18;
	v5 =	vld [tilespmem:s18+$0x10000]  }
0x28f: {  	s24 =	sor.u32 $0x8060, s18;
	v6 =	vld [tilespmem:s18+$0x10010]  }
0x290: {  	v4 =	vld [tilespmem:s18+$0x10020]  }
0x291: {  	s31 =	sor.u32 $0x8070, s18;
	v1 =	vld [tilespmem:s18+$0x10030]  }
0x292: {  	[tilespmem:s31+$0x0] =	vst.add.f32.msk $0xffff, v0  }
.Ltmp14:
0x293: {  	v3 =	vld [tilespmem:s18+$0x10040];
	(pc) =	sbr.rel @p0 .LBB2_30-.Ltmp14, $4  }
0x294: {  	v0 =	vld [tilespmem:s18+$0x10050]  }
0x295: {  	v2 =	vld [tilespmem:s18+$0x10060]  }
0x296: {  	[tilespmem:s29+$0x0] =	vst.add.f32.msk $0xffff, v5  }
0x297: {  	[tilespmem:s30+$0x0] =	vst.add.f32.msk $0xffff, v6  }
0x298: {  	[tilespmem:s26+$0x0] =	vst.add.f32.msk $0xffff, v4  }
0x299: {  	[tilespmem:s28+$0x0] =	vst.add.f32.msk $0xffff, v1  }
0x29a: {  	[tilespmem:s25+$0x0] =	vst.add.f32.msk $0xffff, v3  }
0x29b: {  	[tilespmem:s23+$0x0] =	vst.add.f32.msk $0xffff, v0  }
0x29c: {  	s9 =	simm.s32 $0x0;
	s18 =	simm.s32 $0x0;
	s30 =	simm.s32 $0x0;
	[tilespmem:s24+$0x0] =	vst.add.f32.msk $0xffff, v2  }
0x29d: {  	[hbm4b:s6+s9] =	stream.linear.scatter [tilespmem:s13], [sflag:$0x8], $0x4000, $0x38;
	[tilespmem:$0x14000] =	vst v63  }
0x29e: {  	s18 =	sand.u32 $0x2000, s18;
	s22 =	sand.u32 $0x1C00, s9;
	_ =	swait.ge [sflag:s11], $0x4000  }
0x29f: {  	s31 =	sand.u32 $0x380, s30;
	s18 =	sor.u32 s22, s18;
	[sflag:s11] =	ssyncset.done $0x0  }
0x2a0: {  	s18 =	sor.u32 s31, s18;
	[sflag:s11] =	ssyncadd.s32 $0xFFFFC000  }
0x2a1: {  	v0 =	vld [tilespmem:s18+$0x10070]  }
0x2a2: {  	v5 =	vld [tilespmem:s18+$0x10000]  }
0x2a3: {  	v6 =	vld [tilespmem:s18+$0x10010]  }
0x2a4: {  	v4 =	vld [tilespmem:s18+$0x10020]  }
0x2a5: {  	v2 =	vld [tilespmem:s18+$0x10030]  }
0x2a6: {  	v3 =	vld [tilespmem:s18+$0x10040]  }
0x2a7: {  	s22 =	sor.u32 $0x70, s18;
	v1 =	vld [tilespmem:s18+$0x10060]  }
0x2a8: {  	[tilespmem:s22+$0x0] =	vst.add.f32.msk $0xffff, v0  }
0x2a9: {  	s29 =	sor.u32 $0x10, s18;
	v0 =	vld [tilespmem:s18+$0x10050]  }
0x2aa: {  	s28 =	sor.u32 $0x20, s18;
	s26 =	sor.u32 $0x30, s18;
	s25 =	sor.u32 $0x40, s18;
	[tilespmem:s18+$0x0] =	vst.add.f32.msk $0xffff, v5  }
0x2ab: {  	s24 =	sor.u32 $0x50, s18;
	s23 =	sor.u32 $0x60, s18;
	s22 =	simm.s32 $0x0;
	[tilespmem:s29+$0x0] =	vst.add.f32.msk $0xffff, v6  }
.LBB2_32:
0x2ac: {  	s22 =	sadd.s32 $0x8, s22;
	[tilespmem:s28+$0x0] =	vst.add.f32.msk $0xffff, v4  }
0x2ad: {  	s9 =	sadd.s32 $0x400, s9;
	s18 =	sshll.u32 s22, $0x4;
	p0 =	slt.u32 s22, $0x3F8;
	[tilespmem:s26+$0x0] =	vst.add.f32.msk $0xffff, v2  }
0x2ae: {  	s26 =	sand.u32 $0x1C00, s9;
	s28 =	sshll.u32 s22, $0x1;
	s18 =	sand.u32 $0x2000, s18;
	[tilespmem:s25+$0x0] =	vst.add.f32.msk $0xffff, v3  }
0x2af: {  	s25 =	sand.u32 $0x380, s28;
	s18 =	sor.u32 s26, s18;
	[tilespmem:s24+$0x0] =	vst.add.f32.msk $0xffff, v0  }
0x2b0: {  	s18 =	sor.u32 s25, s18;
	[tilespmem:s23+$0x0] =	vst.add.f32.msk $0xffff, v1  }
0x2b1: {  	s29 =	sor.u32 $0x10, s18;
	s28 =	sor.u32 $0x20, s18;
	s26 =	sor.u32 $0x30, s18;
	v0 =	vld [tilespmem:s18+$0x10070]  }
0x2b2: {  	s25 =	sor.u32 $0x40, s18;
	s24 =	sor.u32 $0x50, s18;
	s23 =	sor.u32 $0x60, s18;
	v5 =	vld [tilespmem:s18+$0x10000]  }
0x2b3: {  	v6 =	vld [tilespmem:s18+$0x10010]  }
0x2b4: {  	v4 =	vld [tilespmem:s18+$0x10020]  }
0x2b5: {  	s30 =	sor.u32 $0x70, s18;
	v2 =	vld [tilespmem:s18+$0x10030]  }
0x2b6: {  	[tilespmem:s30+$0x0] =	vst.add.f32.msk $0xffff, v0  }
.Ltmp15:
0x2b7: {  	v3 =	vld [tilespmem:s18+$0x10040];
	(pc) =	sbr.rel @p0 .LBB2_32-.Ltmp15, $4  }
0x2b8: {  	v0 =	vld [tilespmem:s18+$0x10050]  }
0x2b9: {  	v1 =	vld [tilespmem:s18+$0x10060]  }
0x2ba: {  	[tilespmem:s18+$0x0] =	vst.add.f32.msk $0xffff, v5  }
0x2bb: {  	[tilespmem:s29+$0x0] =	vst.add.f32.msk $0xffff, v6  }
0x2bc: {  	[tilespmem:s28+$0x0] =	vst.add.f32.msk $0xffff, v4  }
0x2bd: {  	[tilespmem:s26+$0x0] =	vst.add.f32.msk $0xffff, v2  }
0x2be: {  	[tilespmem:s25+$0x0] =	vst.add.f32.msk $0xffff, v3  }
0x2bf: {  	[tilespmem:s24+$0x0] =	vst.add.f32.msk $0xffff, v0  }
0x2c0: {  	[tilespmem:s23+$0x0] =	vst.add.f32.msk $0xffff, v1  }
0x2c1: {  	[hbm4b:s7+s1] =	stream.linear.scatter [tilespmem:s1], [sflag:$0x6], $0x4000, $0x38;
	[tilespmem:$0x14000] =	vst v63  }
0x2c2: {  	_ =	swait.ge [sflag:s15], $0x4000  }
0x2c3: {  	[sflag:s15] =	ssyncset.done $0x0  }
0x2c4: {  	s21 =	sadd.s32 $0x1, s21;
	[sflag:s15] =	ssyncadd.s32 $0xFFFFC000  }
0x2c5: {  	p0 =	sne.s32 s21, s8;
	_ =	swait.ge [sflag:s19], $0x4000  }
.Ltmp16:
0x2c6: {  	[sflag:s19] =	ssyncset.done $0x0;
	(pc) =	sbr.rel @p0 .LBB2_1-.Ltmp16, $4  }
0x2c7: {  	[sflag:s19] =	ssyncadd.s32 $0xFFFFC000  }
0x2c8: {  	_ =	swait.ge [sflag:s17], $0x4000  }
0x2c9: {  	[sflag:s17] =	ssyncset.done $0x0  }
0x2ca: {  	[sflag:s17] =	ssyncadd.s32 $0xFFFFC000  }
0x2cb: {  	_ =	sfence.sel $0x180000  }
0x2cc: {  	[bflag:$0x0] =	sbarrier.arrive $0xFFFF  }
0x2cd: {  	_ =	strace $0x90000047  }
0x2ce: {  	s0 =	stileid.u32;
	[bflag:$0x2] =	sbarrier.arrive $0xFFFF  }
0x2cf: {  	p0 =	sne.s32 s0, $0x0;
	s0 =	rddreg [dreg:$0x3]  }
0x2d0: {  	s0 =	sadd.s32 @!p0 $0x100000, s0  }
0x2d1: {  	[sflag:s0] =	ssyncadd.tile.s32 @!p0 $0x1;
	_ =	shalt  }
.Lfunc_end2:
_tile_overlayer_lowered:
.L_overlay_start_2:
0x2d2: {  	(tag) =	ssettag $0x2  }
0x2d3: {  	s0 =	rddreg [dreg:$0x0];
	s2 =	stileid.u32  }
0x2d4: {  	s1 =	rddreg [dreg:$0x1];
	p0 =	sne.s32 s2, $0x0  }
0x2d5: {  	s3 =	rddreg [dreg:$0x2];
	[bflag:$0x3] =	sbarrier.arrive $0xFFFF;
	s2 =	simm.s32 @!p0 $0x1C09  }
0x2d6: {  	[timem:s3], [sflag:s2] =	dma.local @!p0 [hbm:s0], s1  }
0x2d7: {  	s0 =	simm.s32 @!p0 $0x9  }
0x2d8: {  	_ =	swait.ge @!p0 [sflag:s0], s1  }
0x2d9: {  	s1 =	ssub.s32 @!p0 $0x0, s1;
	[sflag:s0] =	ssyncset.done @!p0 $0x0  }
0x2da: {  	[sflag:s0] =	ssyncadd.s32 @!p0 s1  }
0x2db: {  	[bflag:$0x3] =	sbarrier.arrive $0xFFFF  }
0x2dc: {  	_ =	shalt  }

</sc_bundles>
